<compile_context>
chip_gen: v7x
topology: tpu7x:2x2x1
jax: 0.10.2.dev20260603
libtpu: 0.0.44.dev20260713+nightly
codegen_flags: <defaults>
</compile_context>

<pallas_src>
import functools

import jax
import jax.numpy as jnp
from jax import lax
from jax.experimental import pallas as pl
from jax.experimental.pallas import tpu as pltpu
from jax.experimental.pallas import tpu_sc as plsc

NC = 2
NS = 16
NW = NC * NS
CH = 128
DEGW = 16

K0 = 110
K1 = 48
KH0 = K0 // 2
KH1 = K1 // 2
KHM = max(KH0, KH1)
KR = 2 * KHM


def _mesh():
    return plsc.VectorSubcoreMesh(core_axis_name="c", subcore_axis_name="s")


def _deg_kernel(n_pad):
    RPT = n_pad // NS

    @functools.partial(
        pl.kernel,
        mesh=_mesh(),
        compiler_params=pltpu.CompilerParams(use_tc_tiling_on_sc=False),
        out_type=jax.ShapeDtypeStruct((NC, n_pad, DEGW), jnp.float32),
        scratch_types=[
            pltpu.VMEM((KR, CH), jnp.int32),
            pltpu.VMEM((CH, DEGW), jnp.float32),
            pltpu.VMEM_SHARED((n_pad, DEGW), jnp.float32),
        ],
    )
    def deg_k(didx_hbm, ones_hbm, zeros_hbm, out_hbm, didx_v, ones_v, deg_sh):
        c = lax.axis_index("c")
        s = lax.axis_index("s")
        wid = s * NC + c
        kc = jnp.where(c == 0, K0, K1)
        pltpu.sync_copy(ones_hbm, ones_v)
        pltpu.sync_copy(zeros_hbm, deg_sh.at[pl.ds(s * RPT, RPT)])
        pltpu.sync_copy(didx_hbm.at[wid], didx_v)
        plsc.subcore_barrier()

        def step(k, carry):
            pltpu.sync_copy(ones_v, deg_sh.at[didx_v.at[k]], add=True)
            return carry

        lax.fori_loop(0, kc, step, 0)
        plsc.subcore_barrier()
        pltpu.sync_copy(deg_sh.at[pl.ds(s * RPT, RPT)],
                        out_hbm.at[c, pl.ds(s * RPT, RPT)])

    return deg_k


def _agg_kernel(n_pad, D):
    RPT = n_pad // NS

    @functools.partial(
        pl.kernel,
        mesh=_mesh(),
        compiler_params=pltpu.CompilerParams(use_tc_tiling_on_sc=False),
        out_type=jax.ShapeDtypeStruct((NC, n_pad, D), jnp.float32),
        scratch_types=[
            pltpu.VMEM((KHM, CH), jnp.int32),
            pltpu.VMEM((KHM, CH), jnp.int32),
            pltpu.VMEM((CH, D), jnp.float32),
            pltpu.VMEM_SHARED((n_pad, D), jnp.float32),
            pltpu.SemaphoreType.DMA,
        ],
    )
    def agg_k(tab_hbm, sidx_hbm, didx_hbm, zeros_hbm, out_hbm,
              sidx_v, didx_v, rows_v, acc_sh, gsem):
        c = lax.axis_index("c")
        s = lax.axis_index("s")
        wid = s * NC + c
        khc = jnp.where(c == 0, KH0, KH1)
        pltpu.sync_copy(zeros_hbm, acc_sh.at[pl.ds(s * RPT, RPT)])
        plsc.subcore_barrier()

        for ph in range(2):
            pltpu.sync_copy(sidx_hbm.at[wid, pl.ds(ph * khc, KHM)], sidx_v)
            pltpu.sync_copy(didx_hbm.at[wid, pl.ds(ph * khc, KHM)], didx_v)

            def step(k, carry):
                pltpu.async_copy(tab_hbm.at[sidx_v.at[k]], rows_v,
                                 gsem).wait()
                pltpu.sync_copy(rows_v, acc_sh.at[didx_v.at[k]], add=True)
                return carry

            lax.fori_loop(0, khc, step, 0)

        plsc.subcore_barrier()
        pltpu.sync_copy(acc_sh.at[pl.ds(s * RPT, RPT)],
                        out_hbm.at[c, pl.ds(s * RPT, RPT)])

    return agg_k


def _stage1_body(x_ref, w_ref, deg_ref, hs_ref, dinv_ref):
    deg = deg_ref[0, :, 0:1] + deg_ref[1, :, 0:1] + 1.0
    dinv = lax.rsqrt(deg)
    h = jnp.dot(x_ref[...], w_ref[...], preferred_element_type=jnp.float32)
    hs_ref[...] = h * dinv
    dinv_ref[...] = dinv


def _stage2_body(acc_ref, hs1_ref, dinv_ref, w_ref, b_ref, hs2_ref):
    dinv = dinv_ref[...]
    z = (acc_ref[0] + acc_ref[1]) * dinv + hs1_ref[...] * dinv + b_ref[...]
    z = jnp.maximum(z, 0.0)
    hs2_ref[...] = jnp.dot(z, w_ref[...], preferred_element_type=jnp.float32) * dinv


def _stage3_body(n_rows, n_grid,
                 acc_ref, hs2_ref, dinv_ref, b_ref, wfcT_ref,
                 bfc_ref, out_ref, acc_scr):
    i = pl.program_id(0)

    @pl.when(i == 0)
    def _():
        acc_scr[...] = jnp.zeros_like(acc_scr)

    dinv = dinv_ref[...]
    z = (acc_ref[0] + acc_ref[1]) * dinv + hs2_ref[...] * dinv + b_ref[...]
    z = jnp.maximum(z, 0.0)
    acc_scr[...] += jnp.sum(z, axis=0, keepdims=True)

    @pl.when(i == n_grid - 1)
    def _():
        g = acc_scr[...] * (1.0 / n_rows)
        out_ref[...] = (jnp.sum(g * wfcT_ref[...], axis=1, keepdims=True)
                        + bfc_ref[...])


def kernel(x, edge_index, W1, b1, W2, b2, Wfc, bfc):
    N, D_IN = x.shape
    DH = W1.shape[1]
    DO = W2.shape[1]
    E = edge_index.shape[1]

    E_cap = NS * (K0 + K1) * CH
    pad = E_cap - E
    src = jnp.concatenate([edge_index[0], jnp.zeros((pad,), jnp.int32)])
    dst = jnp.concatenate([edge_index[1], jnp.full((pad,), N, jnp.int32)])
    n0 = NS * K0 * CH

    def _layout(v, fill):
        p0 = v[:n0].reshape(NS, 1, K0 * CH)
        p1 = v[n0:].reshape(NS, 1, K1 * CH)
        if K0 < KR:
            p0 = jnp.concatenate(
                [p0, jnp.full((NS, 1, (KR - K0) * CH), fill, jnp.int32)], 2)
        if K1 < KR:
            p1 = jnp.concatenate(
                [p1, jnp.full((NS, 1, (KR - K1) * CH), fill, jnp.int32)], 2)
        return jnp.concatenate([p0, p1], 1).reshape(NW, KR, CH)

    s3 = _layout(src, 0)
    d3 = _layout(dst, N)

    RPT = -(-(N + 1) // (NS * 8)) * 8
    n_pad = RPT * NS

    ones_deg = jnp.ones((CH, DEGW), jnp.float32)
    z_deg = jnp.zeros((RPT, DEGW), jnp.float32)
    z_h = jnp.zeros((RPT, DH), jnp.float32)
    z_o = jnp.zeros((RPT, DO), jnp.float32)

    degout = _deg_kernel(n_pad)(d3, ones_deg, z_deg)

    R = 2000
    NG = N // R
    hs1, dinv = pl.pallas_call(
        _stage1_body,
        grid=(NG,),
        in_specs=[
            pl.BlockSpec((R, D_IN), lambda i: (i, 0)),
            pl.BlockSpec((D_IN, DH), lambda i: (0, 0)),
            pl.BlockSpec((2, R, DEGW), lambda i: (0, i, 0)),
        ],
        out_specs=[
            pl.BlockSpec((R, DH), lambda i: (i, 0)),
            pl.BlockSpec((R, 1), lambda i: (i, 0)),
        ],
        out_shape=[
            jax.ShapeDtypeStruct((N, DH), jnp.float32),
            jax.ShapeDtypeStruct((N, 1), jnp.float32),
        ],
    )(x, W1, degout)

    acc1 = _agg_kernel(n_pad, DH)(hs1, s3, d3, z_h)

    hs2 = pl.pallas_call(
        _stage2_body,
        grid=(NG,),
        in_specs=[
            pl.BlockSpec((2, R, DH), lambda i: (0, i, 0)),
            pl.BlockSpec((R, DH), lambda i: (i, 0)),
            pl.BlockSpec((R, 1), lambda i: (i, 0)),
            pl.BlockSpec((DH, DO), lambda i: (0, 0)),
            pl.BlockSpec((1, DH), lambda i: (0, 0)),
        ],
        out_specs=pl.BlockSpec((R, DO), lambda i: (i, 0)),
        out_shape=jax.ShapeDtypeStruct((N, DO), jnp.float32),
    )(acc1, hs1, dinv, W2, b1.reshape(1, DH))

    acc2 = _agg_kernel(n_pad, DO)(hs2, s3, d3, z_o)

    out = pl.pallas_call(
        functools.partial(_stage3_body, float(N), NG),
        grid=(NG,),
        in_specs=[
            pl.BlockSpec((2, R, DO), lambda i: (0, i, 0)),
            pl.BlockSpec((R, DO), lambda i: (i, 0)),
            pl.BlockSpec((R, 1), lambda i: (i, 0)),
            pl.BlockSpec((1, DO), lambda i: (0, 0)),
            pl.BlockSpec((1, DO), lambda i: (0, 0)),
            pl.BlockSpec((1, 1), lambda i: (0, 0)),
        ],
        out_specs=pl.BlockSpec((1, 1), lambda i: (0, 0)),
        out_shape=jax.ShapeDtypeStruct((1, 1), jnp.float32),
        scratch_shapes=[pltpu.VMEM((1, DO), jnp.float32)],
    )(acc2, hs2, dinv, b2.reshape(1, DO),
      Wfc.reshape(1, DO), bfc.reshape(1, 1))

    return out

# --- scband reference (transcript-rebuilt; emitter-appended) ---
"""Pipeline reference for scband-gnn-13185549598929 (READ-ONLY COPY).

The authoritative reference and input builder live on the scoring server;
editing this copy changes nothing except your own understanding.
"""

import jax, jax.numpy as jnp
import numpy as np

N = 10000
E = 320000
D_IN = 128
D_HID = 64
D_OUT = 128


def setup_inputs(seed: int = 0) -> dict:
    key = jax.random.key(seed)
    ks = jax.random.split(key, 8)
    x = jax.random.normal(ks[0], (N, D_IN), dtype=jnp.float32)
    edge_index = jax.random.randint(ks[1], (2, E), 0, N, dtype=jnp.int32)
    W1 = jax.random.normal(ks[2], (D_IN, D_HID), dtype=jnp.float32) * (1.0 / np.sqrt(D_IN))
    b1 = jnp.zeros((D_HID,), dtype=jnp.float32)
    W2 = jax.random.normal(ks[3], (D_HID, D_OUT), dtype=jnp.float32) * (1.0 / np.sqrt(D_HID))
    b2 = jnp.zeros((D_OUT,), dtype=jnp.float32)
    Wfc = jax.random.normal(ks[4], (D_OUT, 1), dtype=jnp.float32) * (1.0 / np.sqrt(D_OUT))
    bfc = jnp.zeros((1,), dtype=jnp.float32)
    return {"x": x, "edge_index": edge_index, "W1": W1, "b1": b1, "W2": W2, "b2": b2, "Wfc": Wfc, "bfc": bfc}


def _gcn_conv(x, edge_index, W, b):
    # GCNConv with self-loops and symmetric normalization: D^{-1/2} (A+I) D^{-1/2} X W + b
    src = edge_index[0]
    dst = edge_index[1]
    loop = jnp.arange(N, dtype=edge_index.dtype)
    s = jnp.concatenate([src, loop])
    d = jnp.concatenate([dst, loop])
    deg = jnp.zeros((N,), dtype=jnp.float32).at[d].add(1.0)
    dinv = jnp.where(deg > 0, jax.lax.rsqrt(deg), 0.0)
    norm = dinv[s] * dinv[d]
    h = x @ W
    msg = h[s] * norm[:, None]
    out = jnp.zeros((N, W.shape[1]), dtype=jnp.float32).at[d].add(msg)
    return out + b


def reference(x, edge_index, W1, b1, W2, b2, Wfc, bfc):
    h = jax.nn.relu(_gcn_conv(x, edge_index, W1, b1))
    h = jax.nn.relu(_gcn_conv(h, edge_index, W2, b2))
    g = jnp.mean(h, axis=0, keepdims=True)
    out = g @ Wfc + bfc
    return out

if __name__ == "__main__":
    import jax
    _d = setup_inputs()
    print(jax.jit(kernel)(*tuple(_d.values())))

</pallas_src>

<mosaic_0001>
#map = affine_map<(d0, d1) -> (0, 0, 0)>
#map1 = affine_map<(d0, d1) -> (0, 0)>
module attributes {stable_mosaic.version = 14 : i64} {
  func.func @deg_k(%arg0: i32, %arg1: i32, %arg2: memref<32x110x128xi32, #tpu.memory_space<hbm>>, %arg3: memref<128x16xf32, #tpu.memory_space<hbm>>, %arg4: memref<632x16xf32, #tpu.memory_space<hbm>>, %arg5: memref<2x10112x16xf32, #tpu.memory_space<hbm>>, %arg6: memref<110x128xi32, #tpu.memory_space<vmem>>, %arg7: memref<128x16xf32, #tpu.memory_space<vmem>>, %arg8: memref<10112x16xf32, #tpu.memory_space<vmem_shared>>) attributes {dimension_semantics = [#tpu.dimension_semantics<core_parallel>, #tpu.dimension_semantics<subcore_parallel>], iteration_bounds = array<i64: 2, 16>, scalar_prefetch = 0 : i64, scratch_operands = 3 : i64, tpu.core_type = #tpu.core_type<sc_vector_subcore>, window_params = [{transform_indices = #map}, {transform_indices = #map1}, {transform_indices = #map1}, {transform_indices = #map}]} {
    %mul3A = arith.constant 2 : i32
    %mul3A_0 = arith.muli %arg1, %mul3A : i32
    %add3A = arith.addi %mul3A_0, %arg0 : i32
    %eq3A = arith.constant 0 : i32
    %eq3A_1 = arith.cmpi eq, %arg0, %eq3A : i32
    %jit3A = arith.constant 110 : i32
    %jit3A_2 = arith.constant 48 : i32
    %select_n3A = arith.select %eq3A_1, %jit3A, %jit3A_2 : i32
    "tpu.region"() ({
      %run_scoped3A = tpu.sem_alloc : memref<!tpu.dma_semaphore, #tpu.memory_space<semaphore_mem>>
      tpu.enqueue_dma source(%arg3 : memref<128x16xf32, #tpu.memory_space<hbm>>) target(%arg7 : memref<128x16xf32, #tpu.memory_space<vmem>>) target_semaphore(%run_scoped3A : memref<!tpu.dma_semaphore, #tpu.memory_space<semaphore_mem>>)
      tpu.wait_dma2 semaphore(%run_scoped3A : memref<!tpu.dma_semaphore, #tpu.memory_space<semaphore_mem>>) src(%arg3 : memref<128x16xf32, #tpu.memory_space<hbm>>) dst(%arg7 : memref<128x16xf32, #tpu.memory_space<vmem>>)
      tpu.yield
    }) : () -> ()
    %mul3A_3 = arith.constant 632 : i32
    %mul3A_4 = arith.muli %arg1, %mul3A_3 : i32
    "tpu.region"() ({
      %run_scoped3A = tpu.sem_alloc : memref<!tpu.dma_semaphore, #tpu.memory_space<semaphore_mem>>
      %dma_start3A = arith.constant 0 : i32
      %dma_start3A_19 = tpu.memref_slice %arg8[%mul3A_4, %dma_start3A] : memref<10112x16xf32, #tpu.memory_space<vmem_shared>> -> memref<632x16xf32, #tpu.memory_space<vmem_shared>>
      tpu.enqueue_dma source(%arg4 : memref<632x16xf32, #tpu.memory_space<hbm>>) target(%dma_start3A_19 : memref<632x16xf32, #tpu.memory_space<vmem_shared>>) target_semaphore(%run_scoped3A : memref<!tpu.dma_semaphore, #tpu.memory_space<semaphore_mem>>)
      %dma_wait3A = arith.constant 0 : i32
      %dma_wait3A_20 = tpu.memref_slice %arg8[%mul3A_4, %dma_wait3A] : memref<10112x16xf32, #tpu.memory_space<vmem_shared>> -> memref<632x16xf32, #tpu.memory_space<vmem_shared>>
      tpu.wait_dma2 semaphore(%run_scoped3A : memref<!tpu.dma_semaphore, #tpu.memory_space<semaphore_mem>>) src(%arg4 : memref<632x16xf32, #tpu.memory_space<hbm>>) dst(%dma_wait3A_20 : memref<632x16xf32, #tpu.memory_space<vmem_shared>>)
      tpu.yield
    }) : () -> ()
    "tpu.region"() ({
      %run_scoped3A = tpu.sem_alloc : memref<!tpu.dma_semaphore, #tpu.memory_space<semaphore_mem>>
      %dma_start3A = arith.constant 0 : i32
      %dma_start3A_19 = arith.constant 0 : i32
      %dma_start3A_20 = tpu.memref_slice %arg2[%add3A, %dma_start3A, %dma_start3A_19] : memref<32x110x128xi32, #tpu.memory_space<hbm>> -> memref<1x110x128xi32, #tpu.memory_space<hbm>>
      %dma_start3A_21 = tpu.memref_squeeze %dma_start3A_20 : memref<1x110x128xi32, #tpu.memory_space<hbm>> -> memref<110x128xi32, #tpu.memory_space<hbm>>
      %dma_start3A_22 = arith.constant 0 : i32
      %dma_start3A_23 = arith.constant 0 : i32
      %dma_start3A_24 = tpu.memref_slice %arg2[%add3A, %dma_start3A_22, %dma_start3A_23] : memref<32x110x128xi32, #tpu.memory_space<hbm>> -> memref<1x110x128xi32, #tpu.memory_space<hbm>>
      %dma_start3A_25 = tpu.memref_squeeze %dma_start3A_24 : memref<1x110x128xi32, #tpu.memory_space<hbm>> -> memref<110x128xi32, #tpu.memory_space<hbm>>
      tpu.enqueue_dma source(%dma_start3A_25 : memref<110x128xi32, #tpu.memory_space<hbm>>) target(%arg6 : memref<110x128xi32, #tpu.memory_space<vmem>>) target_semaphore(%run_scoped3A : memref<!tpu.dma_semaphore, #tpu.memory_space<semaphore_mem>>)
      %dma_wait3A = arith.constant 0 : i32
      %dma_wait3A_26 = arith.constant 0 : i32
      %dma_wait3A_27 = tpu.memref_slice %arg2[%add3A, %dma_wait3A, %dma_wait3A_26] : memref<32x110x128xi32, #tpu.memory_space<hbm>> -> memref<1x110x128xi32, #tpu.memory_space<hbm>>
      %dma_wait3A_28 = tpu.memref_squeeze %dma_wait3A_27 : memref<1x110x128xi32, #tpu.memory_space<hbm>> -> memref<110x128xi32, #tpu.memory_space<hbm>>
      %dma_wait3A_29 = arith.constant 0 : i32
      %dma_wait3A_30 = arith.constant 0 : i32
      %dma_wait3A_31 = tpu.memref_slice %arg2[%add3A, %dma_wait3A_29, %dma_wait3A_30] : memref<32x110x128xi32, #tpu.memory_space<hbm>> -> memref<1x110x128xi32, #tpu.memory_space<hbm>>
      %dma_wait3A_32 = tpu.memref_squeeze %dma_wait3A_31 : memref<1x110x128xi32, #tpu.memory_space<hbm>> -> memref<110x128xi32, #tpu.memory_space<hbm>>
      tpu.wait_dma2 semaphore(%run_scoped3A : memref<!tpu.dma_semaphore, #tpu.memory_space<semaphore_mem>>) src(%dma_wait3A_32 : memref<110x128xi32, #tpu.memory_space<hbm>>) dst(%arg6 : memref<110x128xi32, #tpu.memory_space<vmem>>)
      tpu.yield
    }) : () -> ()
    %barrier3A = arith.constant 0 : index
    tpu.barrier barrier_id(%barrier3A)
    %while3A = arith.constant 0 : i32
    %while3A_5 = arith.constant 0 : i32
    %while3A_6 = arith.subi %select_n3A, %while3A_5 : i32
    %while3A_7 = arith.addi %while3A_5, %while3A_6 : i32
    %while3A_8 = arith.constant 1 : i32
    %while3A_9 = arith.divsi %while3A_6, %while3A_8 : i32
    %while3A_10 = arith.muli %while3A_9, %while3A_8 : i32
    %while3A_11 = arith.addi %while3A_5, %while3A_10 : i32
    %while3A_12 = arith.constant 1 : i32
    scf.for %while3A_19 = %while3A_5 to %while3A_11 step %while3A_12  : i32 {
      "tpu.region"() ({
        %run_scoped3A = tpu.sem_alloc : memref<!tpu.dma_semaphore, #tpu.memory_space<semaphore_mem>>
        %dma_start3A = arith.constant 0 : i32
        %dma_start3A_20 = tpu.memref_slice %arg6[%while3A_19, %dma_start3A] : memref<110x128xi32, #tpu.memory_space<vmem>> -> memref<1x128xi32, #tpu.memory_space<vmem>>
        %dma_start3A_21 = tpu.memref_squeeze %dma_start3A_20 : memref<1x128xi32, #tpu.memory_space<vmem>> -> memref<128xi32, #tpu.memory_space<vmem>>
        %dma_start3A_22 = arith.constant 0 : i32
        %dma_start3A_23 = arith.constant 0 : i32
        %dma_start3A_24 = tpu.memref_slice %arg8[%dma_start3A_22, %dma_start3A_23] : memref<10112x16xf32, #tpu.memory_space<vmem_shared>> -> memref<10112x16xf32, #tpu.memory_space<vmem_shared>>
        tpu.enqueue_indirect_dma source(%arg7 : memref<128x16xf32, #tpu.memory_space<vmem>>) target(%dma_start3A_24 : memref<10112x16xf32, #tpu.memory_space<vmem_shared>>) offsets(%dma_start3A_21 : memref<128xi32, #tpu.memory_space<vmem>>) semaphore(%run_scoped3A : memref<!tpu.dma_semaphore, #tpu.memory_space<semaphore_mem>>) {add = true}
        %dma_wait3A = arith.constant 0 : i32
        %dma_wait3A_25 = tpu.memref_slice %arg6[%while3A_19, %dma_wait3A] : memref<110x128xi32, #tpu.memory_space<vmem>> -> memref<1x128xi32, #tpu.memory_space<vmem>>
        %dma_wait3A_26 = tpu.memref_squeeze %dma_wait3A_25 : memref<1x128xi32, #tpu.memory_space<vmem>> -> memref<128xi32, #tpu.memory_space<vmem>>
        %dma_wait3A_27 = arith.constant 0 : i32
        %dma_wait3A_28 = arith.constant 0 : i32
        %dma_wait3A_29 = tpu.memref_slice %arg8[%dma_wait3A_27, %dma_wait3A_28] : memref<10112x16xf32, #tpu.memory_space<vmem_shared>> -> memref<10112x16xf32, #tpu.memory_space<vmem_shared>>
        tpu.wait_indirect_dma semaphore(%run_scoped3A : memref<!tpu.dma_semaphore, #tpu.memory_space<semaphore_mem>>) src(%arg7 : memref<128x16xf32, #tpu.memory_space<vmem>>) dst(%dma_wait3A_29 : memref<10112x16xf32, #tpu.memory_space<vmem_shared>>)
        tpu.yield
      }) : () -> ()
    }
    %while3A_13 = arith.constant 1 : i32
    scf.for %while3A_19 = %while3A_11 to %while3A_7 step %while3A_13  : i32 {
      "tpu.region"() ({
        %run_scoped3A = tpu.sem_alloc : memref<!tpu.dma_semaphore, #tpu.memory_space<semaphore_mem>>
        %dma_start3A = arith.constant 0 : i32
        %dma_start3A_20 = tpu.memref_slice %arg6[%while3A_19, %dma_start3A] : memref<110x128xi32, #tpu.memory_space<vmem>> -> memref<1x128xi32, #tpu.memory_space<vmem>>
        %dma_start3A_21 = tpu.memref_squeeze %dma_start3A_20 : memref<1x128xi32, #tpu.memory_space<vmem>> -> memref<128xi32, #tpu.memory_space<vmem>>
        %dma_start3A_22 = arith.constant 0 : i32
        %dma_start3A_23 = arith.constant 0 : i32
        %dma_start3A_24 = tpu.memref_slice %arg8[%dma_start3A_22, %dma_start3A_23] : memref<10112x16xf32, #tpu.memory_space<vmem_shared>> -> memref<10112x16xf32, #tpu.memory_space<vmem_shared>>
        tpu.enqueue_indirect_dma source(%arg7 : memref<128x16xf32, #tpu.memory_space<vmem>>) target(%dma_start3A_24 : memref<10112x16xf32, #tpu.memory_space<vmem_shared>>) offsets(%dma_start3A_21 : memref<128xi32, #tpu.memory_space<vmem>>) semaphore(%run_scoped3A : memref<!tpu.dma_semaphore, #tpu.memory_space<semaphore_mem>>) {add = true}
        %dma_wait3A = arith.constant 0 : i32
        %dma_wait3A_25 = tpu.memref_slice %arg6[%while3A_19, %dma_wait3A] : memref<110x128xi32, #tpu.memory_space<vmem>> -> memref<1x128xi32, #tpu.memory_space<vmem>>
        %dma_wait3A_26 = tpu.memref_squeeze %dma_wait3A_25 : memref<1x128xi32, #tpu.memory_space<vmem>> -> memref<128xi32, #tpu.memory_space<vmem>>
        %dma_wait3A_27 = arith.constant 0 : i32
        %dma_wait3A_28 = arith.constant 0 : i32
        %dma_wait3A_29 = tpu.memref_slice %arg8[%dma_wait3A_27, %dma_wait3A_28] : memref<10112x16xf32, #tpu.memory_space<vmem_shared>> -> memref<10112x16xf32, #tpu.memory_space<vmem_shared>>
        tpu.wait_indirect_dma semaphore(%run_scoped3A : memref<!tpu.dma_semaphore, #tpu.memory_space<semaphore_mem>>) src(%arg7 : memref<128x16xf32, #tpu.memory_space<vmem>>) dst(%dma_wait3A_29 : memref<10112x16xf32, #tpu.memory_space<vmem_shared>>)
        tpu.yield
      }) : () -> ()
    }
    %barrier3A_14 = arith.constant 0 : index
    tpu.barrier barrier_id(%barrier3A_14)
    %mul3A_15 = arith.constant 632 : i32
    %mul3A_16 = arith.muli %arg1, %mul3A_15 : i32
    %mul3A_17 = arith.constant 632 : i32
    %mul3A_18 = arith.muli %arg1, %mul3A_17 : i32
    "tpu.region"() ({
      %run_scoped3A = tpu.sem_alloc : memref<!tpu.dma_semaphore, #tpu.memory_space<semaphore_mem>>
      %dma_start3A = arith.constant 0 : i32
      %dma_start3A_19 = tpu.memref_slice %arg5[%arg0, %mul3A_18, %dma_start3A] : memref<2x10112x16xf32, #tpu.memory_space<hbm>> -> memref<1x632x16xf32, #tpu.memory_space<hbm>>
      %dma_start3A_20 = tpu.memref_squeeze %dma_start3A_19 : memref<1x632x16xf32, #tpu.memory_space<hbm>> -> memref<632x16xf32, #tpu.memory_space<hbm>>
      %dma_start3A_21 = arith.constant 0 : i32
      %dma_start3A_22 = tpu.memref_slice %arg8[%mul3A_16, %dma_start3A_21] : memref<10112x16xf32, #tpu.memory_space<vmem_shared>> -> memref<632x16xf32, #tpu.memory_space<vmem_shared>>
      tpu.enqueue_dma source(%dma_start3A_22 : memref<632x16xf32, #tpu.memory_space<vmem_shared>>) target(%dma_start3A_20 : memref<632x16xf32, #tpu.memory_space<hbm>>) target_semaphore(%run_scoped3A : memref<!tpu.dma_semaphore, #tpu.memory_space<semaphore_mem>>)
      %dma_wait3A = arith.constant 0 : i32
      %dma_wait3A_23 = tpu.memref_slice %arg5[%arg0, %mul3A_18, %dma_wait3A] : memref<2x10112x16xf32, #tpu.memory_space<hbm>> -> memref<1x632x16xf32, #tpu.memory_space<hbm>>
      %dma_wait3A_24 = tpu.memref_squeeze %dma_wait3A_23 : memref<1x632x16xf32, #tpu.memory_space<hbm>> -> memref<632x16xf32, #tpu.memory_space<hbm>>
      %dma_wait3A_25 = arith.constant 0 : i32
      %dma_wait3A_26 = tpu.memref_slice %arg8[%mul3A_16, %dma_wait3A_25] : memref<10112x16xf32, #tpu.memory_space<vmem_shared>> -> memref<632x16xf32, #tpu.memory_space<vmem_shared>>
      tpu.wait_dma2 semaphore(%run_scoped3A : memref<!tpu.dma_semaphore, #tpu.memory_space<semaphore_mem>>) src(%dma_wait3A_26 : memref<632x16xf32, #tpu.memory_space<vmem_shared>>) dst(%dma_wait3A_24 : memref<632x16xf32, #tpu.memory_space<hbm>>)
      tpu.yield
    }) : () -> ()
    return
  }
}

#map = affine_map<(d0, d1) -> (0, 0)>
#map1 = affine_map<(d0, d1) -> (0, 0, 0)>
module attributes {stable_mosaic.version = 14 : i64} {
  func.func @agg_k(%arg0: i32, %arg1: i32, %arg2: memref<10000x128xf32, #tpu.memory_space<hbm>>, %arg3: memref<32x110x128xi32, #tpu.memory_space<hbm>>, %arg4: memref<32x110x128xi32, #tpu.memory_space<hbm>>, %arg5: memref<632x128xf32, #tpu.memory_space<hbm>>, %arg6: memref<2x10112x128xf32, #tpu.memory_space<hbm>>, %arg7: memref<55x128xi32, #tpu.memory_space<vmem>>, %arg8: memref<55x128xi32, #tpu.memory_space<vmem>>, %arg9: memref<128x128xf32, #tpu.memory_space<vmem>>, %arg10: memref<10112x128xf32, #tpu.memory_space<vmem_shared>>, %arg11: memref<!tpu.dma_semaphore, #tpu.memory_space<semaphore_mem>>) attributes {dimension_semantics = [#tpu.dimension_semantics<core_parallel>, #tpu.dimension_semantics<subcore_parallel>], iteration_bounds = array<i64: 2, 16>, scalar_prefetch = 0 : i64, scratch_operands = 5 : i64, tpu.core_type = #tpu.core_type<sc_vector_subcore>, window_params = [{transform_indices = #map}, {transform_indices = #map1}, {transform_indices = #map1}, {transform_indices = #map}, {transform_indices = #map1}]} {
    %mul3A = arith.constant 2 : i32
    %mul3A_0 = arith.muli %arg1, %mul3A : i32
    %add3A = arith.addi %mul3A_0, %arg0 : i32
    %eq3A = arith.constant 0 : i32
    %eq3A_1 = arith.cmpi eq, %arg0, %eq3A : i32
    %jit3A = arith.constant 55 : i32
    %jit3A_2 = arith.constant 24 : i32
    %select_n3A = arith.select %eq3A_1, %jit3A, %jit3A_2 : i32
    %mul3A_3 = arith.constant 632 : i32
    %mul3A_4 = arith.muli %arg1, %mul3A_3 : i32
    "tpu.region"() ({
      %run_scoped3A = tpu.sem_alloc : memref<!tpu.dma_semaphore, #tpu.memory_space<semaphore_mem>>
      %dma_start3A = arith.constant 0 : i32
      %dma_start3A_37 = tpu.memref_slice %arg10[%mul3A_4, %dma_start3A] : memref<10112x128xf32, #tpu.memory_space<vmem_shared>> -> memref<632x128xf32, #tpu.memory_space<vmem_shared>>
      tpu.enqueue_dma source(%arg5 : memref<632x128xf32, #tpu.memory_space<hbm>>) target(%dma_start3A_37 : memref<632x128xf32, #tpu.memory_space<vmem_shared>>) target_semaphore(%run_scoped3A : memref<!tpu.dma_semaphore, #tpu.memory_space<semaphore_mem>>)
      %dma_wait3A = arith.constant 0 : i32
      %dma_wait3A_38 = tpu.memref_slice %arg10[%mul3A_4, %dma_wait3A] : memref<10112x128xf32, #tpu.memory_space<vmem_shared>> -> memref<632x128xf32, #tpu.memory_space<vmem_shared>>
      tpu.wait_dma2 semaphore(%run_scoped3A : memref<!tpu.dma_semaphore, #tpu.memory_space<semaphore_mem>>) src(%arg5 : memref<632x128xf32, #tpu.memory_space<hbm>>) dst(%dma_wait3A_38 : memref<632x128xf32, #tpu.memory_space<vmem_shared>>)
      tpu.yield
    }) : () -> ()
    %barrier3A = arith.constant 0 : index
    tpu.barrier barrier_id(%barrier3A)
    %mul3A_5 = arith.constant 0 : i32
    %mul3A_6 = arith.muli %mul3A_5, %select_n3A : i32
    "tpu.region"() ({
      %run_scoped3A = tpu.sem_alloc : memref<!tpu.dma_semaphore, #tpu.memory_space<semaphore_mem>>
      %dma_start3A = arith.constant 0 : i32
      %dma_start3A_37 = tpu.memref_slice %arg3[%add3A, %mul3A_6, %dma_start3A] : memref<32x110x128xi32, #tpu.memory_space<hbm>> -> memref<1x55x128xi32, #tpu.memory_space<hbm>>
      %dma_start3A_38 = tpu.memref_squeeze %dma_start3A_37 : memref<1x55x128xi32, #tpu.memory_space<hbm>> -> memref<55x128xi32, #tpu.memory_space<hbm>>
      %dma_start3A_39 = arith.constant 0 : i32
      %dma_start3A_40 = tpu.memref_slice %arg3[%add3A, %mul3A_6, %dma_start3A_39] : memref<32x110x128xi32, #tpu.memory_space<hbm>> -> memref<1x55x128xi32, #tpu.memory_space<hbm>>
      %dma_start3A_41 = tpu.memref_squeeze %dma_start3A_40 : memref<1x55x128xi32, #tpu.memory_space<hbm>> -> memref<55x128xi32, #tpu.memory_space<hbm>>
      tpu.enqueue_dma source(%dma_start3A_41 : memref<55x128xi32, #tpu.memory_space<hbm>>) target(%arg7 : memref<55x128xi32, #tpu.memory_space<vmem>>) target_semaphore(%run_scoped3A : memref<!tpu.dma_semaphore, #tpu.memory_space<semaphore_mem>>)
      %dma_wait3A = arith.constant 0 : i32
      %dma_wait3A_42 = tpu.memref_slice %arg3[%add3A, %mul3A_6, %dma_wait3A] : memref<32x110x128xi32, #tpu.memory_space<hbm>> -> memref<1x55x128xi32, #tpu.memory_space<hbm>>
      %dma_wait3A_43 = tpu.memref_squeeze %dma_wait3A_42 : memref<1x55x128xi32, #tpu.memory_space<hbm>> -> memref<55x128xi32, #tpu.memory_space<hbm>>
      %dma_wait3A_44 = arith.constant 0 : i32
      %dma_wait3A_45 = tpu.memref_slice %arg3[%add3A, %mul3A_6, %dma_wait3A_44] : memref<32x110x128xi32, #tpu.memory_space<hbm>> -> memref<1x55x128xi32, #tpu.memory_space<hbm>>
      %dma_wait3A_46 = tpu.memref_squeeze %dma_wait3A_45 : memref<1x55x128xi32, #tpu.memory_space<hbm>> -> memref<55x128xi32, #tpu.memory_space<hbm>>
      tpu.wait_dma2 semaphore(%run_scoped3A : memref<!tpu.dma_semaphore, #tpu.memory_space<semaphore_mem>>) src(%dma_wait3A_46 : memref<55x128xi32, #tpu.memory_space<hbm>>) dst(%arg7 : memref<55x128xi32, #tpu.memory_space<vmem>>)
      tpu.yield
    }) : () -> ()
    %mul3A_7 = arith.constant 0 : i32
    %mul3A_8 = arith.muli %mul3A_7, %select_n3A : i32
    "tpu.region"() ({
      %run_scoped3A = tpu.sem_alloc : memref<!tpu.dma_semaphore, #tpu.memory_space<semaphore_mem>>
      %dma_start3A = arith.constant 0 : i32
      %dma_start3A_37 = tpu.memref_slice %arg4[%add3A, %mul3A_8, %dma_start3A] : memref<32x110x128xi32, #tpu.memory_space<hbm>> -> memref<1x55x128xi32, #tpu.memory_space<hbm>>
      %dma_start3A_38 = tpu.memref_squeeze %dma_start3A_37 : memref<1x55x128xi32, #tpu.memory_space<hbm>> -> memref<55x128xi32, #tpu.memory_space<hbm>>
      %dma_start3A_39 = arith.constant 0 : i32
      %dma_start3A_40 = tpu.memref_slice %arg4[%add3A, %mul3A_8, %dma_start3A_39] : memref<32x110x128xi32, #tpu.memory_space<hbm>> -> memref<1x55x128xi32, #tpu.memory_space<hbm>>
      %dma_start3A_41 = tpu.memref_squeeze %dma_start3A_40 : memref<1x55x128xi32, #tpu.memory_space<hbm>> -> memref<55x128xi32, #tpu.memory_space<hbm>>
      tpu.enqueue_dma source(%dma_start3A_41 : memref<55x128xi32, #tpu.memory_space<hbm>>) target(%arg8 : memref<55x128xi32, #tpu.memory_space<vmem>>) target_semaphore(%run_scoped3A : memref<!tpu.dma_semaphore, #tpu.memory_space<semaphore_mem>>)
      %dma_wait3A = arith.constant 0 : i32
      %dma_wait3A_42 = tpu.memref_slice %arg4[%add3A, %mul3A_8, %dma_wait3A] : memref<32x110x128xi32, #tpu.memory_space<hbm>> -> memref<1x55x128xi32, #tpu.memory_space<hbm>>
      %dma_wait3A_43 = tpu.memref_squeeze %dma_wait3A_42 : memref<1x55x128xi32, #tpu.memory_space<hbm>> -> memref<55x128xi32, #tpu.memory_space<hbm>>
      %dma_wait3A_44 = arith.constant 0 : i32
      %dma_wait3A_45 = tpu.memref_slice %arg4[%add3A, %mul3A_8, %dma_wait3A_44] : memref<32x110x128xi32, #tpu.memory_space<hbm>> -> memref<1x55x128xi32, #tpu.memory_space<hbm>>
      %dma_wait3A_46 = tpu.memref_squeeze %dma_wait3A_45 : memref<1x55x128xi32, #tpu.memory_space<hbm>> -> memref<55x128xi32, #tpu.memory_space<hbm>>
      tpu.wait_dma2 semaphore(%run_scoped3A : memref<!tpu.dma_semaphore, #tpu.memory_space<semaphore_mem>>) src(%dma_wait3A_46 : memref<55x128xi32, #tpu.memory_space<hbm>>) dst(%arg8 : memref<55x128xi32, #tpu.memory_space<vmem>>)
      tpu.yield
    }) : () -> ()
    %while3A = arith.constant 0 : i32
    %while3A_9 = arith.constant 0 : i32
    %while3A_10 = arith.subi %select_n3A, %while3A_9 : i32
    %while3A_11 = arith.addi %while3A_9, %while3A_10 : i32
    %while3A_12 = arith.constant 1 : i32
    %while3A_13 = arith.divsi %while3A_10, %while3A_12 : i32
    %while3A_14 = arith.muli %while3A_13, %while3A_12 : i32
    %while3A_15 = arith.addi %while3A_9, %while3A_14 : i32
    %while3A_16 = arith.constant 1 : i32
    scf.for %while3A_37 = %while3A_9 to %while3A_15 step %while3A_16  : i32 {
      %dma_start3A = arith.constant 0 : i32
      %dma_start3A_38 = tpu.memref_slice %arg7[%while3A_37, %dma_start3A] : memref<55x128xi32, #tpu.memory_space<vmem>> -> memref<1x128xi32, #tpu.memory_space<vmem>>
      %dma_start3A_39 = tpu.memref_squeeze %dma_start3A_38 : memref<1x128xi32, #tpu.memory_space<vmem>> -> memref<128xi32, #tpu.memory_space<vmem>>
      %dma_start3A_40 = arith.constant 0 : i32
      %dma_start3A_41 = arith.constant 0 : i32
      %dma_start3A_42 = tpu.memref_slice %arg2[%dma_start3A_40, %dma_start3A_41] : memref<10000x128xf32, #tpu.memory_space<hbm>> -> memref<10000x128xf32, #tpu.memory_space<hbm>>
      tpu.enqueue_indirect_dma source(%dma_start3A_42 : memref<10000x128xf32, #tpu.memory_space<hbm>>) target(%arg9 : memref<128x128xf32, #tpu.memory_space<vmem>>) offsets(%dma_start3A_39 : memref<128xi32, #tpu.memory_space<vmem>>) semaphore(%arg11 : memref<!tpu.dma_semaphore, #tpu.memory_space<semaphore_mem>>)
      %dma_wait3A = arith.constant 0 : i32
      %dma_wait3A_43 = tpu.memref_slice %arg7[%while3A_37, %dma_wait3A] : memref<55x128xi32, #tpu.memory_space<vmem>> -> memref<1x128xi32, #tpu.memory_space<vmem>>
      %dma_wait3A_44 = tpu.memref_squeeze %dma_wait3A_43 : memref<1x128xi32, #tpu.memory_space<vmem>> -> memref<128xi32, #tpu.memory_space<vmem>>
      %dma_wait3A_45 = arith.constant 0 : i32
      %dma_wait3A_46 = arith.constant 0 : i32
      %dma_wait3A_47 = tpu.memref_slice %arg2[%dma_wait3A_45, %dma_wait3A_46] : memref<10000x128xf32, #tpu.memory_space<hbm>> -> memref<10000x128xf32, #tpu.memory_space<hbm>>
      tpu.wait_indirect_dma semaphore(%arg11 : memref<!tpu.dma_semaphore, #tpu.memory_space<semaphore_mem>>) src(%dma_wait3A_47 : memref<10000x128xf32, #tpu.memory_space<hbm>>) dst(%arg9 : memref<128x128xf32, #tpu.memory_space<vmem>>)
      "tpu.region"() ({
        %run_scoped3A = tpu.sem_alloc : memref<!tpu.dma_semaphore, #tpu.memory_space<semaphore_mem>>
        %dma_start3A_48 = arith.constant 0 : i32
        %dma_start3A_49 = tpu.memref_slice %arg8[%while3A_37, %dma_start3A_48] : memref<55x128xi32, #tpu.memory_space<vmem>> -> memref<1x128xi32, #tpu.memory_space<vmem>>
        %dma_start3A_50 = tpu.memref_squeeze %dma_start3A_49 : memref<1x128xi32, #tpu.memory_space<vmem>> -> memref<128xi32, #tpu.memory_space<vmem>>
        %dma_start3A_51 = arith.constant 0 : i32
        %dma_start3A_52 = arith.constant 0 : i32
        %dma_start3A_53 = tpu.memref_slice %arg10[%dma_start3A_51, %dma_start3A_52] : memref<10112x128xf32, #tpu.memory_space<vmem_shared>> -> memref<10112x128xf32, #tpu.memory_space<vmem_shared>>
        tpu.enqueue_indirect_dma source(%arg9 : memref<128x128xf32, #tpu.memory_space<vmem>>) target(%dma_start3A_53 : memref<10112x128xf32, #tpu.memory_space<vmem_shared>>) offsets(%dma_start3A_50 : memref<128xi32, #tpu.memory_space<vmem>>) semaphore(%run_scoped3A : memref<!tpu.dma_semaphore, #tpu.memory_space<semaphore_mem>>) {add = true}
        %dma_wait3A_54 = arith.constant 0 : i32
        %dma_wait3A_55 = tpu.memref_slice %arg8[%while3A_37, %dma_wait3A_54] : memref<55x128xi32, #tpu.memory_space<vmem>> -> memref<1x128xi32, #tpu.memory_space<vmem>>
        %dma_wait3A_56 = tpu.memref_squeeze %dma_wait3A_55 : memref<1x128xi32, #tpu.memory_space<vmem>> -> memref<128xi32, #tpu.memory_space<vmem>>
        %dma_wait3A_57 = arith.constant 0 : i32
        %dma_wait3A_58 = arith.constant 0 : i32
        %dma_wait3A_59 = tpu.memref_slice %arg10[%dma_wait3A_57, %dma_wait3A_58] : memref<10112x128xf32, #tpu.memory_space<vmem_shared>> -> memref<10112x128xf32, #tpu.memory_space<vmem_shared>>
        tpu.wait_indirect_dma semaphore(%run_scoped3A : memref<!tpu.dma_semaphore, #tpu.memory_space<semaphore_mem>>) src(%arg9 : memref<128x128xf32, #tpu.memory_space<vmem>>) dst(%dma_wait3A_59 : memref<10112x128xf32, #tpu.memory_space<vmem_shared>>)
        tpu.yield
      }) : () -> ()
    }
    %while3A_17 = arith.constant 1 : i32
    scf.for %while3A_37 = %while3A_15 to %while3A_11 step %while3A_17  : i32 {
      %dma_start3A = arith.constant 0 : i32
      %dma_start3A_38 = tpu.memref_slice %arg7[%while3A_37, %dma_start3A] : memref<55x128xi32, #tpu.memory_space<vmem>> -> memref<1x128xi32, #tpu.memory_space<vmem>>
      %dma_start3A_39 = tpu.memref_squeeze %dma_start3A_38 : memref<1x128xi32, #tpu.memory_space<vmem>> -> memref<128xi32, #tpu.memory_space<vmem>>
      %dma_start3A_40 = arith.constant 0 : i32
      %dma_start3A_41 = arith.constant 0 : i32
      %dma_start3A_42 = tpu.memref_slice %arg2[%dma_start3A_40, %dma_start3A_41] : memref<10000x128xf32, #tpu.memory_space<hbm>> -> memref<10000x128xf32, #tpu.memory_space<hbm>>
      tpu.enqueue_indirect_dma source(%dma_start3A_42 : memref<10000x128xf32, #tpu.memory_space<hbm>>) target(%arg9 : memref<128x128xf32, #tpu.memory_space<vmem>>) offsets(%dma_start3A_39 : memref<128xi32, #tpu.memory_space<vmem>>) semaphore(%arg11 : memref<!tpu.dma_semaphore, #tpu.memory_space<semaphore_mem>>)
      %dma_wait3A = arith.constant 0 : i32
      %dma_wait3A_43 = tpu.memref_slice %arg7[%while3A_37, %dma_wait3A] : memref<55x128xi32, #tpu.memory_space<vmem>> -> memref<1x128xi32, #tpu.memory_space<vmem>>
      %dma_wait3A_44 = tpu.memref_squeeze %dma_wait3A_43 : memref<1x128xi32, #tpu.memory_space<vmem>> -> memref<128xi32, #tpu.memory_space<vmem>>
      %dma_wait3A_45 = arith.constant 0 : i32
      %dma_wait3A_46 = arith.constant 0 : i32
      %dma_wait3A_47 = tpu.memref_slice %arg2[%dma_wait3A_45, %dma_wait3A_46] : memref<10000x128xf32, #tpu.memory_space<hbm>> -> memref<10000x128xf32, #tpu.memory_space<hbm>>
      tpu.wait_indirect_dma semaphore(%arg11 : memref<!tpu.dma_semaphore, #tpu.memory_space<semaphore_mem>>) src(%dma_wait3A_47 : memref<10000x128xf32, #tpu.memory_space<hbm>>) dst(%arg9 : memref<128x128xf32, #tpu.memory_space<vmem>>)
      "tpu.region"() ({
        %run_scoped3A = tpu.sem_alloc : memref<!tpu.dma_semaphore, #tpu.memory_space<semaphore_mem>>
        %dma_start3A_48 = arith.constant 0 : i32
        %dma_start3A_49 = tpu.memref_slice %arg8[%while3A_37, %dma_start3A_48] : memref<55x128xi32, #tpu.memory_space<vmem>> -> memref<1x128xi32, #tpu.memory_space<vmem>>
        %dma_start3A_50 = tpu.memref_squeeze %dma_start3A_49 : memref<1x128xi32, #tpu.memory_space<vmem>> -> memref<128xi32, #tpu.memory_space<vmem>>
        %dma_start3A_51 = arith.constant 0 : i32
        %dma_start3A_52 = arith.constant 0 : i32
        %dma_start3A_53 = tpu.memref_slice %arg10[%dma_start3A_51, %dma_start3A_52] : memref<10112x128xf32, #tpu.memory_space<vmem_shared>> -> memref<10112x128xf32, #tpu.memory_space<vmem_shared>>
        tpu.enqueue_indirect_dma source(%arg9 : memref<128x128xf32, #tpu.memory_space<vmem>>) target(%dma_start3A_53 : memref<10112x128xf32, #tpu.memory_space<vmem_shared>>) offsets(%dma_start3A_50 : memref<128xi32, #tpu.memory_space<vmem>>) semaphore(%run_scoped3A : memref<!tpu.dma_semaphore, #tpu.memory_space<semaphore_mem>>) {add = true}
        %dma_wait3A_54 = arith.constant 0 : i32
        %dma_wait3A_55 = tpu.memref_slice %arg8[%while3A_37, %dma_wait3A_54] : memref<55x128xi32, #tpu.memory_space<vmem>> -> memref<1x128xi32, #tpu.memory_space<vmem>>
        %dma_wait3A_56 = tpu.memref_squeeze %dma_wait3A_55 : memref<1x128xi32, #tpu.memory_space<vmem>> -> memref<128xi32, #tpu.memory_space<vmem>>
        %dma_wait3A_57 = arith.constant 0 : i32
        %dma_wait3A_58 = arith.constant 0 : i32
        %dma_wait3A_59 = tpu.memref_slice %arg10[%dma_wait3A_57, %dma_wait3A_58] : memref<10112x128xf32, #tpu.memory_space<vmem_shared>> -> memref<10112x128xf32, #tpu.memory_space<vmem_shared>>
        tpu.wait_indirect_dma semaphore(%run_scoped3A : memref<!tpu.dma_semaphore, #tpu.memory_space<semaphore_mem>>) src(%arg9 : memref<128x128xf32, #tpu.memory_space<vmem>>) dst(%dma_wait3A_59 : memref<10112x128xf32, #tpu.memory_space<vmem_shared>>)
        tpu.yield
      }) : () -> ()
    }
    %mul3A_18 = arith.constant 1 : i32
    %mul3A_19 = arith.muli %mul3A_18, %select_n3A : i32
    "tpu.region"() ({
      %run_scoped3A = tpu.sem_alloc : memref<!tpu.dma_semaphore, #tpu.memory_space<semaphore_mem>>
      %dma_start3A = arith.constant 0 : i32
      %dma_start3A_37 = tpu.memref_slice %arg3[%add3A, %mul3A_19, %dma_start3A] : memref<32x110x128xi32, #tpu.memory_space<hbm>> -> memref<1x55x128xi32, #tpu.memory_space<hbm>>
      %dma_start3A_38 = tpu.memref_squeeze %dma_start3A_37 : memref<1x55x128xi32, #tpu.memory_space<hbm>> -> memref<55x128xi32, #tpu.memory_space<hbm>>
      %dma_start3A_39 = arith.constant 0 : i32
      %dma_start3A_40 = tpu.memref_slice %arg3[%add3A, %mul3A_19, %dma_start3A_39] : memref<32x110x128xi32, #tpu.memory_space<hbm>> -> memref<1x55x128xi32, #tpu.memory_space<hbm>>
      %dma_start3A_41 = tpu.memref_squeeze %dma_start3A_40 : memref<1x55x128xi32, #tpu.memory_space<hbm>> -> memref<55x128xi32, #tpu.memory_space<hbm>>
      tpu.enqueue_dma source(%dma_start3A_41 : memref<55x128xi32, #tpu.memory_space<hbm>>) target(%arg7 : memref<55x128xi32, #tpu.memory_space<vmem>>) target_semaphore(%run_scoped3A : memref<!tpu.dma_semaphore, #tpu.memory_space<semaphore_mem>>)
      %dma_wait3A = arith.constant 0 : i32
      %dma_wait3A_42 = tpu.memref_slice %arg3[%add3A, %mul3A_19, %dma_wait3A] : memref<32x110x128xi32, #tpu.memory_space<hbm>> -> memref<1x55x128xi32, #tpu.memory_space<hbm>>
      %dma_wait3A_43 = tpu.memref_squeeze %dma_wait3A_42 : memref<1x55x128xi32, #tpu.memory_space<hbm>> -> memref<55x128xi32, #tpu.memory_space<hbm>>
      %dma_wait3A_44 = arith.constant 0 : i32
      %dma_wait3A_45 = tpu.memref_slice %arg3[%add3A, %mul3A_19, %dma_wait3A_44] : memref<32x110x128xi32, #tpu.memory_space<hbm>> -> memref<1x55x128xi32, #tpu.memory_space<hbm>>
      %dma_wait3A_46 = tpu.memref_squeeze %dma_wait3A_45 : memref<1x55x128xi32, #tpu.memory_space<hbm>> -> memref<55x128xi32, #tpu.memory_space<hbm>>
      tpu.wait_dma2 semaphore(%run_scoped3A : memref<!tpu.dma_semaphore, #tpu.memory_space<semaphore_mem>>) src(%dma_wait3A_46 : memref<55x128xi32, #tpu.memory_space<hbm>>) dst(%arg7 : memref<55x128xi32, #tpu.memory_space<vmem>>)
      tpu.yield
    }) : () -> ()
    %mul3A_20 = arith.constant 1 : i32
    %mul3A_21 = arith.muli %mul3A_20, %select_n3A : i32
    "tpu.region"() ({
      %run_scoped3A = tpu.sem_alloc : memref<!tpu.dma_semaphore, #tpu.memory_space<semaphore_mem>>
      %dma_start3A = arith.constant 0 : i32
      %dma_start3A_37 = tpu.memref_slice %arg4[%add3A, %mul3A_21, %dma_start3A] : memref<32x110x128xi32, #tpu.memory_space<hbm>> -> memref<1x55x128xi32, #tpu.memory_space<hbm>>
      %dma_start3A_38 = tpu.memref_squeeze %dma_start3A_37 : memref<1x55x128xi32, #tpu.memory_space<hbm>> -> memref<55x128xi32, #tpu.memory_space<hbm>>
      %dma_start3A_39 = arith.constant 0 : i32
      %dma_start3A_40 = tpu.memref_slice %arg4[%add3A, %mul3A_21, %dma_start3A_39] : memref<32x110x128xi32, #tpu.memory_space<hbm>> -> memref<1x55x128xi32, #tpu.memory_space<hbm>>
      %dma_start3A_41 = tpu.memref_squeeze %dma_start3A_40 : memref<1x55x128xi32, #tpu.memory_space<hbm>> -> memref<55x128xi32, #tpu.memory_space<hbm>>
      tpu.enqueue_dma source(%dma_start3A_41 : memref<55x128xi32, #tpu.memory_space<hbm>>) target(%arg8 : memref<55x128xi32, #tpu.memory_space<vmem>>) target_semaphore(%run_scoped3A : memref<!tpu.dma_semaphore, #tpu.memory_space<semaphore_mem>>)
      %dma_wait3A = arith.constant 0 : i32
      %dma_wait3A_42 = tpu.memref_slice %arg4[%add3A, %mul3A_21, %dma_wait3A] : memref<32x110x128xi32, #tpu.memory_space<hbm>> -> memref<1x55x128xi32, #tpu.memory_space<hbm>>
      %dma_wait3A_43 = tpu.memref_squeeze %dma_wait3A_42 : memref<1x55x128xi32, #tpu.memory_space<hbm>> -> memref<55x128xi32, #tpu.memory_space<hbm>>
      %dma_wait3A_44 = arith.constant 0 : i32
      %dma_wait3A_45 = tpu.memref_slice %arg4[%add3A, %mul3A_21, %dma_wait3A_44] : memref<32x110x128xi32, #tpu.memory_space<hbm>> -> memref<1x55x128xi32, #tpu.memory_space<hbm>>
      %dma_wait3A_46 = tpu.memref_squeeze %dma_wait3A_45 : memref<1x55x128xi32, #tpu.memory_space<hbm>> -> memref<55x128xi32, #tpu.memory_space<hbm>>
      tpu.wait_dma2 semaphore(%run_scoped3A : memref<!tpu.dma_semaphore, #tpu.memory_space<semaphore_mem>>) src(%dma_wait3A_46 : memref<55x128xi32, #tpu.memory_space<hbm>>) dst(%arg8 : memref<55x128xi32, #tpu.memory_space<vmem>>)
      tpu.yield
    }) : () -> ()
    %while3A_22 = arith.constant 0 : i32
    %while3A_23 = arith.constant 0 : i32
    %while3A_24 = arith.subi %select_n3A, %while3A_23 : i32
    %while3A_25 = arith.addi %while3A_23, %while3A_24 : i32
    %while3A_26 = arith.constant 1 : i32
    %while3A_27 = arith.divsi %while3A_24, %while3A_26 : i32
    %while3A_28 = arith.muli %while3A_27, %while3A_26 : i32
    %while3A_29 = arith.addi %while3A_23, %while3A_28 : i32
    %while3A_30 = arith.constant 1 : i32
    scf.for %while3A_37 = %while3A_23 to %while3A_29 step %while3A_30  : i32 {
      %dma_start3A = arith.constant 0 : i32
      %dma_start3A_38 = tpu.memref_slice %arg7[%while3A_37, %dma_start3A] : memref<55x128xi32, #tpu.memory_space<vmem>> -> memref<1x128xi32, #tpu.memory_space<vmem>>
      %dma_start3A_39 = tpu.memref_squeeze %dma_start3A_38 : memref<1x128xi32, #tpu.memory_space<vmem>> -> memref<128xi32, #tpu.memory_space<vmem>>
      %dma_start3A_40 = arith.constant 0 : i32
      %dma_start3A_41 = arith.constant 0 : i32
      %dma_start3A_42 = tpu.memref_slice %arg2[%dma_start3A_40, %dma_start3A_41] : memref<10000x128xf32, #tpu.memory_space<hbm>> -> memref<10000x128xf32, #tpu.memory_space<hbm>>
      tpu.enqueue_indirect_dma source(%dma_start3A_42 : memref<10000x128xf32, #tpu.memory_space<hbm>>) target(%arg9 : memref<128x128xf32, #tpu.memory_space<vmem>>) offsets(%dma_start3A_39 : memref<128xi32, #tpu.memory_space<vmem>>) semaphore(%arg11 : memref<!tpu.dma_semaphore, #tpu.memory_space<semaphore_mem>>)
      %dma_wait3A = arith.constant 0 : i32
      %dma_wait3A_43 = tpu.memref_slice %arg7[%while3A_37, %dma_wait3A] : memref<55x128xi32, #tpu.memory_space<vmem>> -> memref<1x128xi32, #tpu.memory_space<vmem>>
      %dma_wait3A_44 = tpu.memref_squeeze %dma_wait3A_43 : memref<1x128xi32, #tpu.memory_space<vmem>> -> memref<128xi32, #tpu.memory_space<vmem>>
      %dma_wait3A_45 = arith.constant 0 : i32
      %dma_wait3A_46 = arith.constant 0 : i32
      %dma_wait3A_47 = tpu.memref_slice %arg2[%dma_wait3A_45, %dma_wait3A_46] : memref<10000x128xf32, #tpu.memory_space<hbm>> -> memref<10000x128xf32, #tpu.memory_space<hbm>>
      tpu.wait_indirect_dma semaphore(%arg11 : memref<!tpu.dma_semaphore, #tpu.memory_space<semaphore_mem>>) src(%dma_wait3A_47 : memref<10000x128xf32, #tpu.memory_space<hbm>>) dst(%arg9 : memref<128x128xf32, #tpu.memory_space<vmem>>)
      "tpu.region"() ({
        %run_scoped3A = tpu.sem_alloc : memref<!tpu.dma_semaphore, #tpu.memory_space<semaphore_mem>>
        %dma_start3A_48 = arith.constant 0 : i32
        %dma_start3A_49 = tpu.memref_slice %arg8[%while3A_37, %dma_start3A_48] : memref<55x128xi32, #tpu.memory_space<vmem>> -> memref<1x128xi32, #tpu.memory_space<vmem>>
        %dma_start3A_50 = tpu.memref_squeeze %dma_start3A_49 : memref<1x128xi32, #tpu.memory_space<vmem>> -> memref<128xi32, #tpu.memory_space<vmem>>
        %dma_start3A_51 = arith.constant 0 : i32
        %dma_start3A_52 = arith.constant 0 : i32
        %dma_start3A_53 = tpu.memref_slice %arg10[%dma_start3A_51, %dma_start3A_52] : memref<10112x128xf32, #tpu.memory_space<vmem_shared>> -> memref<10112x128xf32, #tpu.memory_space<vmem_shared>>
        tpu.enqueue_indirect_dma source(%arg9 : memref<128x128xf32, #tpu.memory_space<vmem>>) target(%dma_start3A_53 : memref<10112x128xf32, #tpu.memory_space<vmem_shared>>) offsets(%dma_start3A_50 : memref<128xi32, #tpu.memory_space<vmem>>) semaphore(%run_scoped3A : memref<!tpu.dma_semaphore, #tpu.memory_space<semaphore_mem>>) {add = true}
        %dma_wait3A_54 = arith.constant 0 : i32
        %dma_wait3A_55 = tpu.memref_slice %arg8[%while3A_37, %dma_wait3A_54] : memref<55x128xi32, #tpu.memory_space<vmem>> -> memref<1x128xi32, #tpu.memory_space<vmem>>
        %dma_wait3A_56 = tpu.memref_squeeze %dma_wait3A_55 : memref<1x128xi32, #tpu.memory_space<vmem>> -> memref<128xi32, #tpu.memory_space<vmem>>
        %dma_wait3A_57 = arith.constant 0 : i32
        %dma_wait3A_58 = arith.constant 0 : i32
        %dma_wait3A_59 = tpu.memref_slice %arg10[%dma_wait3A_57, %dma_wait3A_58] : memref<10112x128xf32, #tpu.memory_space<vmem_shared>> -> memref<10112x128xf32, #tpu.memory_space<vmem_shared>>
        tpu.wait_indirect_dma semaphore(%run_scoped3A : memref<!tpu.dma_semaphore, #tpu.memory_space<semaphore_mem>>) src(%arg9 : memref<128x128xf32, #tpu.memory_space<vmem>>) dst(%dma_wait3A_59 : memref<10112x128xf32, #tpu.memory_space<vmem_shared>>)
        tpu.yield
      }) : () -> ()
    }
    %while3A_31 = arith.constant 1 : i32
    scf.for %while3A_37 = %while3A_29 to %while3A_25 step %while3A_31  : i32 {
      %dma_start3A = arith.constant 0 : i32
      %dma_start3A_38 = tpu.memref_slice %arg7[%while3A_37, %dma_start3A] : memref<55x128xi32, #tpu.memory_space<vmem>> -> memref<1x128xi32, #tpu.memory_space<vmem>>
      %dma_start3A_39 = tpu.memref_squeeze %dma_start3A_38 : memref<1x128xi32, #tpu.memory_space<vmem>> -> memref<128xi32, #tpu.memory_space<vmem>>
      %dma_start3A_40 = arith.constant 0 : i32
      %dma_start3A_41 = arith.constant 0 : i32
      %dma_start3A_42 = tpu.memref_slice %arg2[%dma_start3A_40, %dma_start3A_41] : memref<10000x128xf32, #tpu.memory_space<hbm>> -> memref<10000x128xf32, #tpu.memory_space<hbm>>
      tpu.enqueue_indirect_dma source(%dma_start3A_42 : memref<10000x128xf32, #tpu.memory_space<hbm>>) target(%arg9 : memref<128x128xf32, #tpu.memory_space<vmem>>) offsets(%dma_start3A_39 : memref<128xi32, #tpu.memory_space<vmem>>) semaphore(%arg11 : memref<!tpu.dma_semaphore, #tpu.memory_space<semaphore_mem>>)
      %dma_wait3A = arith.constant 0 : i32
      %dma_wait3A_43 = tpu.memref_slice %arg7[%while3A_37, %dma_wait3A] : memref<55x128xi32, #tpu.memory_space<vmem>> -> memref<1x128xi32, #tpu.memory_space<vmem>>
      %dma_wait3A_44 = tpu.memref_squeeze %dma_wait3A_43 : memref<1x128xi32, #tpu.memory_space<vmem>> -> memref<128xi32, #tpu.memory_space<vmem>>
      %dma_wait3A_45 = arith.constant 0 : i32
      %dma_wait3A_46 = arith.constant 0 : i32
      %dma_wait3A_47 = tpu.memref_slice %arg2[%dma_wait3A_45, %dma_wait3A_46] : memref<10000x128xf32, #tpu.memory_space<hbm>> -> memref<10000x128xf32, #tpu.memory_space<hbm>>
      tpu.wait_indirect_dma semaphore(%arg11 : memref<!tpu.dma_semaphore, #tpu.memory_space<semaphore_mem>>) src(%dma_wait3A_47 : memref<10000x128xf32, #tpu.memory_space<hbm>>) dst(%arg9 : memref<128x128xf32, #tpu.memory_space<vmem>>)
      "tpu.region"() ({
        %run_scoped3A = tpu.sem_alloc : memref<!tpu.dma_semaphore, #tpu.memory_space<semaphore_mem>>
        %dma_start3A_48 = arith.constant 0 : i32
        %dma_start3A_49 = tpu.memref_slice %arg8[%while3A_37, %dma_start3A_48] : memref<55x128xi32, #tpu.memory_space<vmem>> -> memref<1x128xi32, #tpu.memory_space<vmem>>
        %dma_start3A_50 = tpu.memref_squeeze %dma_start3A_49 : memref<1x128xi32, #tpu.memory_space<vmem>> -> memref<128xi32, #tpu.memory_space<vmem>>
        %dma_start3A_51 = arith.constant 0 : i32
        %dma_start3A_52 = arith.constant 0 : i32
        %dma_start3A_53 = tpu.memref_slice %arg10[%dma_start3A_51, %dma_start3A_52] : memref<10112x128xf32, #tpu.memory_space<vmem_shared>> -> memref<10112x128xf32, #tpu.memory_space<vmem_shared>>
        tpu.enqueue_indirect_dma source(%arg9 : memref<128x128xf32, #tpu.memory_space<vmem>>) target(%dma_start3A_53 : memref<10112x128xf32, #tpu.memory_space<vmem_shared>>) offsets(%dma_start3A_50 : memref<128xi32, #tpu.memory_space<vmem>>) semaphore(%run_scoped3A : memref<!tpu.dma_semaphore, #tpu.memory_space<semaphore_mem>>) {add = true}
        %dma_wait3A_54 = arith.constant 0 : i32
        %dma_wait3A_55 = tpu.memref_slice %arg8[%while3A_37, %dma_wait3A_54] : memref<55x128xi32, #tpu.memory_space<vmem>> -> memref<1x128xi32, #tpu.memory_space<vmem>>
        %dma_wait3A_56 = tpu.memref_squeeze %dma_wait3A_55 : memref<1x128xi32, #tpu.memory_space<vmem>> -> memref<128xi32, #tpu.memory_space<vmem>>
        %dma_wait3A_57 = arith.constant 0 : i32
        %dma_wait3A_58 = arith.constant 0 : i32
        %dma_wait3A_59 = tpu.memref_slice %arg10[%dma_wait3A_57, %dma_wait3A_58] : memref<10112x128xf32, #tpu.memory_space<vmem_shared>> -> memref<10112x128xf32, #tpu.memory_space<vmem_shared>>
        tpu.wait_indirect_dma semaphore(%run_scoped3A : memref<!tpu.dma_semaphore, #tpu.memory_space<semaphore_mem>>) src(%arg9 : memref<128x128xf32, #tpu.memory_space<vmem>>) dst(%dma_wait3A_59 : memref<10112x128xf32, #tpu.memory_space<vmem_shared>>)
        tpu.yield
      }) : () -> ()
    }
    %barrier3A_32 = arith.constant 0 : index
    tpu.barrier barrier_id(%barrier3A_32)
    %mul3A_33 = arith.constant 632 : i32
    %mul3A_34 = arith.muli %arg1, %mul3A_33 : i32
    %mul3A_35 = arith.constant 632 : i32
    %mul3A_36 = arith.muli %arg1, %mul3A_35 : i32
    "tpu.region"() ({
      %run_scoped3A = tpu.sem_alloc : memref<!tpu.dma_semaphore, #tpu.memory_space<semaphore_mem>>
      %dma_start3A = arith.constant 0 : i32
      %dma_start3A_37 = tpu.memref_slice %arg6[%arg0, %mul3A_36, %dma_start3A] : memref<2x10112x128xf32, #tpu.memory_space<hbm>> -> memref<1x632x128xf32, #tpu.memory_space<hbm>>
      %dma_start3A_38 = tpu.memref_squeeze %dma_start3A_37 : memref<1x632x128xf32, #tpu.memory_space<hbm>> -> memref<632x128xf32, #tpu.memory_space<hbm>>
      %dma_start3A_39 = arith.constant 0 : i32
      %dma_start3A_40 = tpu.memref_slice %arg10[%mul3A_34, %dma_start3A_39] : memref<10112x128xf32, #tpu.memory_space<vmem_shared>> -> memref<632x128xf32, #tpu.memory_space<vmem_shared>>
      tpu.enqueue_dma source(%dma_start3A_40 : memref<632x128xf32, #tpu.memory_space<vmem_shared>>) target(%dma_start3A_38 : memref<632x128xf32, #tpu.memory_space<hbm>>) target_semaphore(%run_scoped3A : memref<!tpu.dma_semaphore, #tpu.memory_space<semaphore_mem>>)
      %dma_wait3A = arith.constant 0 : i32
      %dma_wait3A_41 = tpu.memref_slice %arg6[%arg0, %mul3A_36, %dma_wait3A] : memref<2x10112x128xf32, #tpu.memory_space<hbm>> -> memref<1x632x128xf32, #tpu.memory_space<hbm>>
      %dma_wait3A_42 = tpu.memref_squeeze %dma_wait3A_41 : memref<1x632x128xf32, #tpu.memory_space<hbm>> -> memref<632x128xf32, #tpu.memory_space<hbm>>
      %dma_wait3A_43 = arith.constant 0 : i32
      %dma_wait3A_44 = tpu.memref_slice %arg10[%mul3A_34, %dma_wait3A_43] : memref<10112x128xf32, #tpu.memory_space<vmem_shared>> -> memref<632x128xf32, #tpu.memory_space<vmem_shared>>
      tpu.wait_dma2 semaphore(%run_scoped3A : memref<!tpu.dma_semaphore, #tpu.memory_space<semaphore_mem>>) src(%dma_wait3A_44 : memref<632x128xf32, #tpu.memory_space<vmem_shared>>) dst(%dma_wait3A_42 : memref<632x128xf32, #tpu.memory_space<hbm>>)
      tpu.yield
    }) : () -> ()
    return
  }
}

#map = affine_map<(d0, d1) -> (0, 0)>
#map1 = affine_map<(d0, d1) -> (0, 0, 0)>
module attributes {stable_mosaic.version = 14 : i64} {
  func.func @agg_k(%arg0: i32, %arg1: i32, %arg2: memref<10000x64xf32, #tpu.memory_space<hbm>>, %arg3: memref<32x110x128xi32, #tpu.memory_space<hbm>>, %arg4: memref<32x110x128xi32, #tpu.memory_space<hbm>>, %arg5: memref<632x64xf32, #tpu.memory_space<hbm>>, %arg6: memref<2x10112x64xf32, #tpu.memory_space<hbm>>, %arg7: memref<55x128xi32, #tpu.memory_space<vmem>>, %arg8: memref<55x128xi32, #tpu.memory_space<vmem>>, %arg9: memref<128x64xf32, #tpu.memory_space<vmem>>, %arg10: memref<10112x64xf32, #tpu.memory_space<vmem_shared>>, %arg11: memref<!tpu.dma_semaphore, #tpu.memory_space<semaphore_mem>>) attributes {dimension_semantics = [#tpu.dimension_semantics<core_parallel>, #tpu.dimension_semantics<subcore_parallel>], iteration_bounds = array<i64: 2, 16>, scalar_prefetch = 0 : i64, scratch_operands = 5 : i64, tpu.core_type = #tpu.core_type<sc_vector_subcore>, window_params = [{transform_indices = #map}, {transform_indices = #map1}, {transform_indices = #map1}, {transform_indices = #map}, {transform_indices = #map1}]} {
    %mul3A = arith.constant 2 : i32
    %mul3A_0 = arith.muli %arg1, %mul3A : i32
    %add3A = arith.addi %mul3A_0, %arg0 : i32
    %eq3A = arith.constant 0 : i32
    %eq3A_1 = arith.cmpi eq, %arg0, %eq3A : i32
    %jit3A = arith.constant 55 : i32
    %jit3A_2 = arith.constant 24 : i32
    %select_n3A = arith.select %eq3A_1, %jit3A, %jit3A_2 : i32
    %mul3A_3 = arith.constant 632 : i32
    %mul3A_4 = arith.muli %arg1, %mul3A_3 : i32
    "tpu.region"() ({
      %run_scoped3A = tpu.sem_alloc : memref<!tpu.dma_semaphore, #tpu.memory_space<semaphore_mem>>
      %dma_start3A = arith.constant 0 : i32
      %dma_start3A_37 = tpu.memref_slice %arg10[%mul3A_4, %dma_start3A] : memref<10112x64xf32, #tpu.memory_space<vmem_shared>> -> memref<632x64xf32, #tpu.memory_space<vmem_shared>>
      tpu.enqueue_dma source(%arg5 : memref<632x64xf32, #tpu.memory_space<hbm>>) target(%dma_start3A_37 : memref<632x64xf32, #tpu.memory_space<vmem_shared>>) target_semaphore(%run_scoped3A : memref<!tpu.dma_semaphore, #tpu.memory_space<semaphore_mem>>)
      %dma_wait3A = arith.constant 0 : i32
      %dma_wait3A_38 = tpu.memref_slice %arg10[%mul3A_4, %dma_wait3A] : memref<10112x64xf32, #tpu.memory_space<vmem_shared>> -> memref<632x64xf32, #tpu.memory_space<vmem_shared>>
      tpu.wait_dma2 semaphore(%run_scoped3A : memref<!tpu.dma_semaphore, #tpu.memory_space<semaphore_mem>>) src(%arg5 : memref<632x64xf32, #tpu.memory_space<hbm>>) dst(%dma_wait3A_38 : memref<632x64xf32, #tpu.memory_space<vmem_shared>>)
      tpu.yield
    }) : () -> ()
    %barrier3A = arith.constant 0 : index
    tpu.barrier barrier_id(%barrier3A)
    %mul3A_5 = arith.constant 0 : i32
    %mul3A_6 = arith.muli %mul3A_5, %select_n3A : i32
    "tpu.region"() ({
      %run_scoped3A = tpu.sem_alloc : memref<!tpu.dma_semaphore, #tpu.memory_space<semaphore_mem>>
      %dma_start3A = arith.constant 0 : i32
      %dma_start3A_37 = tpu.memref_slice %arg3[%add3A, %mul3A_6, %dma_start3A] : memref<32x110x128xi32, #tpu.memory_space<hbm>> -> memref<1x55x128xi32, #tpu.memory_space<hbm>>
      %dma_start3A_38 = tpu.memref_squeeze %dma_start3A_37 : memref<1x55x128xi32, #tpu.memory_space<hbm>> -> memref<55x128xi32, #tpu.memory_space<hbm>>
      %dma_start3A_39 = arith.constant 0 : i32
      %dma_start3A_40 = tpu.memref_slice %arg3[%add3A, %mul3A_6, %dma_start3A_39] : memref<32x110x128xi32, #tpu.memory_space<hbm>> -> memref<1x55x128xi32, #tpu.memory_space<hbm>>
      %dma_start3A_41 = tpu.memref_squeeze %dma_start3A_40 : memref<1x55x128xi32, #tpu.memory_space<hbm>> -> memref<55x128xi32, #tpu.memory_space<hbm>>
      tpu.enqueue_dma source(%dma_start3A_41 : memref<55x128xi32, #tpu.memory_space<hbm>>) target(%arg7 : memref<55x128xi32, #tpu.memory_space<vmem>>) target_semaphore(%run_scoped3A : memref<!tpu.dma_semaphore, #tpu.memory_space<semaphore_mem>>)
      %dma_wait3A = arith.constant 0 : i32
      %dma_wait3A_42 = tpu.memref_slice %arg3[%add3A, %mul3A_6, %dma_wait3A] : memref<32x110x128xi32, #tpu.memory_space<hbm>> -> memref<1x55x128xi32, #tpu.memory_space<hbm>>
      %dma_wait3A_43 = tpu.memref_squeeze %dma_wait3A_42 : memref<1x55x128xi32, #tpu.memory_space<hbm>> -> memref<55x128xi32, #tpu.memory_space<hbm>>
      %dma_wait3A_44 = arith.constant 0 : i32
      %dma_wait3A_45 = tpu.memref_slice %arg3[%add3A, %mul3A_6, %dma_wait3A_44] : memref<32x110x128xi32, #tpu.memory_space<hbm>> -> memref<1x55x128xi32, #tpu.memory_space<hbm>>
      %dma_wait3A_46 = tpu.memref_squeeze %dma_wait3A_45 : memref<1x55x128xi32, #tpu.memory_space<hbm>> -> memref<55x128xi32, #tpu.memory_space<hbm>>
      tpu.wait_dma2 semaphore(%run_scoped3A : memref<!tpu.dma_semaphore, #tpu.memory_space<semaphore_mem>>) src(%dma_wait3A_46 : memref<55x128xi32, #tpu.memory_space<hbm>>) dst(%arg7 : memref<55x128xi32, #tpu.memory_space<vmem>>)
      tpu.yield
    }) : () -> ()
    %mul3A_7 = arith.constant 0 : i32
    %mul3A_8 = arith.muli %mul3A_7, %select_n3A : i32
    "tpu.region"() ({
      %run_scoped3A = tpu.sem_alloc : memref<!tpu.dma_semaphore, #tpu.memory_space<semaphore_mem>>
      %dma_start3A = arith.constant 0 : i32
      %dma_start3A_37 = tpu.memref_slice %arg4[%add3A, %mul3A_8, %dma_start3A] : memref<32x110x128xi32, #tpu.memory_space<hbm>> -> memref<1x55x128xi32, #tpu.memory_space<hbm>>
      %dma_start3A_38 = tpu.memref_squeeze %dma_start3A_37 : memref<1x55x128xi32, #tpu.memory_space<hbm>> -> memref<55x128xi32, #tpu.memory_space<hbm>>
      %dma_start3A_39 = arith.constant 0 : i32
      %dma_start3A_40 = tpu.memref_slice %arg4[%add3A, %mul3A_8, %dma_start3A_39] : memref<32x110x128xi32, #tpu.memory_space<hbm>> -> memref<1x55x128xi32, #tpu.memory_space<hbm>>
      %dma_start3A_41 = tpu.memref_squeeze %dma_start3A_40 : memref<1x55x128xi32, #tpu.memory_space<hbm>> -> memref<55x128xi32, #tpu.memory_space<hbm>>
      tpu.enqueue_dma source(%dma_start3A_41 : memref<55x128xi32, #tpu.memory_space<hbm>>) target(%arg8 : memref<55x128xi32, #tpu.memory_space<vmem>>) target_semaphore(%run_scoped3A : memref<!tpu.dma_semaphore, #tpu.memory_space<semaphore_mem>>)
      %dma_wait3A = arith.constant 0 : i32
      %dma_wait3A_42 = tpu.memref_slice %arg4[%add3A, %mul3A_8, %dma_wait3A] : memref<32x110x128xi32, #tpu.memory_space<hbm>> -> memref<1x55x128xi32, #tpu.memory_space<hbm>>
      %dma_wait3A_43 = tpu.memref_squeeze %dma_wait3A_42 : memref<1x55x128xi32, #tpu.memory_space<hbm>> -> memref<55x128xi32, #tpu.memory_space<hbm>>
      %dma_wait3A_44 = arith.constant 0 : i32
      %dma_wait3A_45 = tpu.memref_slice %arg4[%add3A, %mul3A_8, %dma_wait3A_44] : memref<32x110x128xi32, #tpu.memory_space<hbm>> -> memref<1x55x128xi32, #tpu.memory_space<hbm>>
      %dma_wait3A_46 = tpu.memref_squeeze %dma_wait3A_45 : memref<1x55x128xi32, #tpu.memory_space<hbm>> -> memref<55x128xi32, #tpu.memory_space<hbm>>
      tpu.wait_dma2 semaphore(%run_scoped3A : memref<!tpu.dma_semaphore, #tpu.memory_space<semaphore_mem>>) src(%dma_wait3A_46 : memref<55x128xi32, #tpu.memory_space<hbm>>) dst(%arg8 : memref<55x128xi32, #tpu.memory_space<vmem>>)
      tpu.yield
    }) : () -> ()
    %while3A = arith.constant 0 : i32
    %while3A_9 = arith.constant 0 : i32
    %while3A_10 = arith.subi %select_n3A, %while3A_9 : i32
    %while3A_11 = arith.addi %while3A_9, %while3A_10 : i32
    %while3A_12 = arith.constant 1 : i32
    %while3A_13 = arith.divsi %while3A_10, %while3A_12 : i32
    %while3A_14 = arith.muli %while3A_13, %while3A_12 : i32
    %while3A_15 = arith.addi %while3A_9, %while3A_14 : i32
    %while3A_16 = arith.constant 1 : i32
    scf.for %while3A_37 = %while3A_9 to %while3A_15 step %while3A_16  : i32 {
      %dma_start3A = arith.constant 0 : i32
      %dma_start3A_38 = tpu.memref_slice %arg7[%while3A_37, %dma_start3A] : memref<55x128xi32, #tpu.memory_space<vmem>> -> memref<1x128xi32, #tpu.memory_space<vmem>>
      %dma_start3A_39 = tpu.memref_squeeze %dma_start3A_38 : memref<1x128xi32, #tpu.memory_space<vmem>> -> memref<128xi32, #tpu.memory_space<vmem>>
      %dma_start3A_40 = arith.constant 0 : i32
      %dma_start3A_41 = arith.constant 0 : i32
      %dma_start3A_42 = tpu.memref_slice %arg2[%dma_start3A_40, %dma_start3A_41] : memref<10000x64xf32, #tpu.memory_space<hbm>> -> memref<10000x64xf32, #tpu.memory_space<hbm>>
      tpu.enqueue_indirect_dma source(%dma_start3A_42 : memref<10000x64xf32, #tpu.memory_space<hbm>>) target(%arg9 : memref<128x64xf32, #tpu.memory_space<vmem>>) offsets(%dma_start3A_39 : memref<128xi32, #tpu.memory_space<vmem>>) semaphore(%arg11 : memref<!tpu.dma_semaphore, #tpu.memory_space<semaphore_mem>>)
      %dma_wait3A = arith.constant 0 : i32
      %dma_wait3A_43 = tpu.memref_slice %arg7[%while3A_37, %dma_wait3A] : memref<55x128xi32, #tpu.memory_space<vmem>> -> memref<1x128xi32, #tpu.memory_space<vmem>>
      %dma_wait3A_44 = tpu.memref_squeeze %dma_wait3A_43 : memref<1x128xi32, #tpu.memory_space<vmem>> -> memref<128xi32, #tpu.memory_space<vmem>>
      %dma_wait3A_45 = arith.constant 0 : i32
      %dma_wait3A_46 = arith.constant 0 : i32
      %dma_wait3A_47 = tpu.memref_slice %arg2[%dma_wait3A_45, %dma_wait3A_46] : memref<10000x64xf32, #tpu.memory_space<hbm>> -> memref<10000x64xf32, #tpu.memory_space<hbm>>
      tpu.wait_indirect_dma semaphore(%arg11 : memref<!tpu.dma_semaphore, #tpu.memory_space<semaphore_mem>>) src(%dma_wait3A_47 : memref<10000x64xf32, #tpu.memory_space<hbm>>) dst(%arg9 : memref<128x64xf32, #tpu.memory_space<vmem>>)
      "tpu.region"() ({
        %run_scoped3A = tpu.sem_alloc : memref<!tpu.dma_semaphore, #tpu.memory_space<semaphore_mem>>
        %dma_start3A_48 = arith.constant 0 : i32
        %dma_start3A_49 = tpu.memref_slice %arg8[%while3A_37, %dma_start3A_48] : memref<55x128xi32, #tpu.memory_space<vmem>> -> memref<1x128xi32, #tpu.memory_space<vmem>>
        %dma_start3A_50 = tpu.memref_squeeze %dma_start3A_49 : memref<1x128xi32, #tpu.memory_space<vmem>> -> memref<128xi32, #tpu.memory_space<vmem>>
        %dma_start3A_51 = arith.constant 0 : i32
        %dma_start3A_52 = arith.constant 0 : i32
        %dma_start3A_53 = tpu.memref_slice %arg10[%dma_start3A_51, %dma_start3A_52] : memref<10112x64xf32, #tpu.memory_space<vmem_shared>> -> memref<10112x64xf32, #tpu.memory_space<vmem_shared>>
        tpu.enqueue_indirect_dma source(%arg9 : memref<128x64xf32, #tpu.memory_space<vmem>>) target(%dma_start3A_53 : memref<10112x64xf32, #tpu.memory_space<vmem_shared>>) offsets(%dma_start3A_50 : memref<128xi32, #tpu.memory_space<vmem>>) semaphore(%run_scoped3A : memref<!tpu.dma_semaphore, #tpu.memory_space<semaphore_mem>>) {add = true}
        %dma_wait3A_54 = arith.constant 0 : i32
        %dma_wait3A_55 = tpu.memref_slice %arg8[%while3A_37, %dma_wait3A_54] : memref<55x128xi32, #tpu.memory_space<vmem>> -> memref<1x128xi32, #tpu.memory_space<vmem>>
        %dma_wait3A_56 = tpu.memref_squeeze %dma_wait3A_55 : memref<1x128xi32, #tpu.memory_space<vmem>> -> memref<128xi32, #tpu.memory_space<vmem>>
        %dma_wait3A_57 = arith.constant 0 : i32
        %dma_wait3A_58 = arith.constant 0 : i32
        %dma_wait3A_59 = tpu.memref_slice %arg10[%dma_wait3A_57, %dma_wait3A_58] : memref<10112x64xf32, #tpu.memory_space<vmem_shared>> -> memref<10112x64xf32, #tpu.memory_space<vmem_shared>>
        tpu.wait_indirect_dma semaphore(%run_scoped3A : memref<!tpu.dma_semaphore, #tpu.memory_space<semaphore_mem>>) src(%arg9 : memref<128x64xf32, #tpu.memory_space<vmem>>) dst(%dma_wait3A_59 : memref<10112x64xf32, #tpu.memory_space<vmem_shared>>)
        tpu.yield
      }) : () -> ()
    }
    %while3A_17 = arith.constant 1 : i32
    scf.for %while3A_37 = %while3A_15 to %while3A_11 step %while3A_17  : i32 {
      %dma_start3A = arith.constant 0 : i32
      %dma_start3A_38 = tpu.memref_slice %arg7[%while3A_37, %dma_start3A] : memref<55x128xi32, #tpu.memory_space<vmem>> -> memref<1x128xi32, #tpu.memory_space<vmem>>
      %dma_start3A_39 = tpu.memref_squeeze %dma_start3A_38 : memref<1x128xi32, #tpu.memory_space<vmem>> -> memref<128xi32, #tpu.memory_space<vmem>>
      %dma_start3A_40 = arith.constant 0 : i32
      %dma_start3A_41 = arith.constant 0 : i32
      %dma_start3A_42 = tpu.memref_slice %arg2[%dma_start3A_40, %dma_start3A_41] : memref<10000x64xf32, #tpu.memory_space<hbm>> -> memref<10000x64xf32, #tpu.memory_space<hbm>>
      tpu.enqueue_indirect_dma source(%dma_start3A_42 : memref<10000x64xf32, #tpu.memory_space<hbm>>) target(%arg9 : memref<128x64xf32, #tpu.memory_space<vmem>>) offsets(%dma_start3A_39 : memref<128xi32, #tpu.memory_space<vmem>>) semaphore(%arg11 : memref<!tpu.dma_semaphore, #tpu.memory_space<semaphore_mem>>)
      %dma_wait3A = arith.constant 0 : i32
      %dma_wait3A_43 = tpu.memref_slice %arg7[%while3A_37, %dma_wait3A] : memref<55x128xi32, #tpu.memory_space<vmem>> -> memref<1x128xi32, #tpu.memory_space<vmem>>
      %dma_wait3A_44 = tpu.memref_squeeze %dma_wait3A_43 : memref<1x128xi32, #tpu.memory_space<vmem>> -> memref<128xi32, #tpu.memory_space<vmem>>
      %dma_wait3A_45 = arith.constant 0 : i32
      %dma_wait3A_46 = arith.constant 0 : i32
      %dma_wait3A_47 = tpu.memref_slice %arg2[%dma_wait3A_45, %dma_wait3A_46] : memref<10000x64xf32, #tpu.memory_space<hbm>> -> memref<10000x64xf32, #tpu.memory_space<hbm>>
      tpu.wait_indirect_dma semaphore(%arg11 : memref<!tpu.dma_semaphore, #tpu.memory_space<semaphore_mem>>) src(%dma_wait3A_47 : memref<10000x64xf32, #tpu.memory_space<hbm>>) dst(%arg9 : memref<128x64xf32, #tpu.memory_space<vmem>>)
      "tpu.region"() ({
        %run_scoped3A = tpu.sem_alloc : memref<!tpu.dma_semaphore, #tpu.memory_space<semaphore_mem>>
        %dma_start3A_48 = arith.constant 0 : i32
        %dma_start3A_49 = tpu.memref_slice %arg8[%while3A_37, %dma_start3A_48] : memref<55x128xi32, #tpu.memory_space<vmem>> -> memref<1x128xi32, #tpu.memory_space<vmem>>
        %dma_start3A_50 = tpu.memref_squeeze %dma_start3A_49 : memref<1x128xi32, #tpu.memory_space<vmem>> -> memref<128xi32, #tpu.memory_space<vmem>>
        %dma_start3A_51 = arith.constant 0 : i32
        %dma_start3A_52 = arith.constant 0 : i32
        %dma_start3A_53 = tpu.memref_slice %arg10[%dma_start3A_51, %dma_start3A_52] : memref<10112x64xf32, #tpu.memory_space<vmem_shared>> -> memref<10112x64xf32, #tpu.memory_space<vmem_shared>>
        tpu.enqueue_indirect_dma source(%arg9 : memref<128x64xf32, #tpu.memory_space<vmem>>) target(%dma_start3A_53 : memref<10112x64xf32, #tpu.memory_space<vmem_shared>>) offsets(%dma_start3A_50 : memref<128xi32, #tpu.memory_space<vmem>>) semaphore(%run_scoped3A : memref<!tpu.dma_semaphore, #tpu.memory_space<semaphore_mem>>) {add = true}
        %dma_wait3A_54 = arith.constant 0 : i32
        %dma_wait3A_55 = tpu.memref_slice %arg8[%while3A_37, %dma_wait3A_54] : memref<55x128xi32, #tpu.memory_space<vmem>> -> memref<1x128xi32, #tpu.memory_space<vmem>>
        %dma_wait3A_56 = tpu.memref_squeeze %dma_wait3A_55 : memref<1x128xi32, #tpu.memory_space<vmem>> -> memref<128xi32, #tpu.memory_space<vmem>>
        %dma_wait3A_57 = arith.constant 0 : i32
        %dma_wait3A_58 = arith.constant 0 : i32
        %dma_wait3A_59 = tpu.memref_slice %arg10[%dma_wait3A_57, %dma_wait3A_58] : memref<10112x64xf32, #tpu.memory_space<vmem_shared>> -> memref<10112x64xf32, #tpu.memory_space<vmem_shared>>
        tpu.wait_indirect_dma semaphore(%run_scoped3A : memref<!tpu.dma_semaphore, #tpu.memory_space<semaphore_mem>>) src(%arg9 : memref<128x64xf32, #tpu.memory_space<vmem>>) dst(%dma_wait3A_59 : memref<10112x64xf32, #tpu.memory_space<vmem_shared>>)
        tpu.yield
      }) : () -> ()
    }
    %mul3A_18 = arith.constant 1 : i32
    %mul3A_19 = arith.muli %mul3A_18, %select_n3A : i32
    "tpu.region"() ({
      %run_scoped3A = tpu.sem_alloc : memref<!tpu.dma_semaphore, #tpu.memory_space<semaphore_mem>>
      %dma_start3A = arith.constant 0 : i32
      %dma_start3A_37 = tpu.memref_slice %arg3[%add3A, %mul3A_19, %dma_start3A] : memref<32x110x128xi32, #tpu.memory_space<hbm>> -> memref<1x55x128xi32, #tpu.memory_space<hbm>>
      %dma_start3A_38 = tpu.memref_squeeze %dma_start3A_37 : memref<1x55x128xi32, #tpu.memory_space<hbm>> -> memref<55x128xi32, #tpu.memory_space<hbm>>
      %dma_start3A_39 = arith.constant 0 : i32
      %dma_start3A_40 = tpu.memref_slice %arg3[%add3A, %mul3A_19, %dma_start3A_39] : memref<32x110x128xi32, #tpu.memory_space<hbm>> -> memref<1x55x128xi32, #tpu.memory_space<hbm>>
      %dma_start3A_41 = tpu.memref_squeeze %dma_start3A_40 : memref<1x55x128xi32, #tpu.memory_space<hbm>> -> memref<55x128xi32, #tpu.memory_space<hbm>>
      tpu.enqueue_dma source(%dma_start3A_41 : memref<55x128xi32, #tpu.memory_space<hbm>>) target(%arg7 : memref<55x128xi32, #tpu.memory_space<vmem>>) target_semaphore(%run_scoped3A : memref<!tpu.dma_semaphore, #tpu.memory_space<semaphore_mem>>)
      %dma_wait3A = arith.constant 0 : i32
      %dma_wait3A_42 = tpu.memref_slice %arg3[%add3A, %mul3A_19, %dma_wait3A] : memref<32x110x128xi32, #tpu.memory_space<hbm>> -> memref<1x55x128xi32, #tpu.memory_space<hbm>>
      %dma_wait3A_43 = tpu.memref_squeeze %dma_wait3A_42 : memref<1x55x128xi32, #tpu.memory_space<hbm>> -> memref<55x128xi32, #tpu.memory_space<hbm>>
      %dma_wait3A_44 = arith.constant 0 : i32
      %dma_wait3A_45 = tpu.memref_slice %arg3[%add3A, %mul3A_19, %dma_wait3A_44] : memref<32x110x128xi32, #tpu.memory_space<hbm>> -> memref<1x55x128xi32, #tpu.memory_space<hbm>>
      %dma_wait3A_46 = tpu.memref_squeeze %dma_wait3A_45 : memref<1x55x128xi32, #tpu.memory_space<hbm>> -> memref<55x128xi32, #tpu.memory_space<hbm>>
      tpu.wait_dma2 semaphore(%run_scoped3A : memref<!tpu.dma_semaphore, #tpu.memory_space<semaphore_mem>>) src(%dma_wait3A_46 : memref<55x128xi32, #tpu.memory_space<hbm>>) dst(%arg7 : memref<55x128xi32, #tpu.memory_space<vmem>>)
      tpu.yield
    }) : () -> ()
    %mul3A_20 = arith.constant 1 : i32
    %mul3A_21 = arith.muli %mul3A_20, %select_n3A : i32
    "tpu.region"() ({
      %run_scoped3A = tpu.sem_alloc : memref<!tpu.dma_semaphore, #tpu.memory_space<semaphore_mem>>
      %dma_start3A = arith.constant 0 : i32
      %dma_start3A_37 = tpu.memref_slice %arg4[%add3A, %mul3A_21, %dma_start3A] : memref<32x110x128xi32, #tpu.memory_space<hbm>> -> memref<1x55x128xi32, #tpu.memory_space<hbm>>
      %dma_start3A_38 = tpu.memref_squeeze %dma_start3A_37 : memref<1x55x128xi32, #tpu.memory_space<hbm>> -> memref<55x128xi32, #tpu.memory_space<hbm>>
      %dma_start3A_39 = arith.constant 0 : i32
      %dma_start3A_40 = tpu.memref_slice %arg4[%add3A, %mul3A_21, %dma_start3A_39] : memref<32x110x128xi32, #tpu.memory_space<hbm>> -> memref<1x55x128xi32, #tpu.memory_space<hbm>>
      %dma_start3A_41 = tpu.memref_squeeze %dma_start3A_40 : memref<1x55x128xi32, #tpu.memory_space<hbm>> -> memref<55x128xi32, #tpu.memory_space<hbm>>
      tpu.enqueue_dma source(%dma_start3A_41 : memref<55x128xi32, #tpu.memory_space<hbm>>) target(%arg8 : memref<55x128xi32, #tpu.memory_space<vmem>>) target_semaphore(%run_scoped3A : memref<!tpu.dma_semaphore, #tpu.memory_space<semaphore_mem>>)
      %dma_wait3A = arith.constant 0 : i32
      %dma_wait3A_42 = tpu.memref_slice %arg4[%add3A, %mul3A_21, %dma_wait3A] : memref<32x110x128xi32, #tpu.memory_space<hbm>> -> memref<1x55x128xi32, #tpu.memory_space<hbm>>
      %dma_wait3A_43 = tpu.memref_squeeze %dma_wait3A_42 : memref<1x55x128xi32, #tpu.memory_space<hbm>> -> memref<55x128xi32, #tpu.memory_space<hbm>>
      %dma_wait3A_44 = arith.constant 0 : i32
      %dma_wait3A_45 = tpu.memref_slice %arg4[%add3A, %mul3A_21, %dma_wait3A_44] : memref<32x110x128xi32, #tpu.memory_space<hbm>> -> memref<1x55x128xi32, #tpu.memory_space<hbm>>
      %dma_wait3A_46 = tpu.memref_squeeze %dma_wait3A_45 : memref<1x55x128xi32, #tpu.memory_space<hbm>> -> memref<55x128xi32, #tpu.memory_space<hbm>>
      tpu.wait_dma2 semaphore(%run_scoped3A : memref<!tpu.dma_semaphore, #tpu.memory_space<semaphore_mem>>) src(%dma_wait3A_46 : memref<55x128xi32, #tpu.memory_space<hbm>>) dst(%arg8 : memref<55x128xi32, #tpu.memory_space<vmem>>)
      tpu.yield
    }) : () -> ()
    %while3A_22 = arith.constant 0 : i32
    %while3A_23 = arith.constant 0 : i32
    %while3A_24 = arith.subi %select_n3A, %while3A_23 : i32
    %while3A_25 = arith.addi %while3A_23, %while3A_24 : i32
    %while3A_26 = arith.constant 1 : i32
    %while3A_27 = arith.divsi %while3A_24, %while3A_26 : i32
    %while3A_28 = arith.muli %while3A_27, %while3A_26 : i32
    %while3A_29 = arith.addi %while3A_23, %while3A_28 : i32
    %while3A_30 = arith.constant 1 : i32
    scf.for %while3A_37 = %while3A_23 to %while3A_29 step %while3A_30  : i32 {
      %dma_start3A = arith.constant 0 : i32
      %dma_start3A_38 = tpu.memref_slice %arg7[%while3A_37, %dma_start3A] : memref<55x128xi32, #tpu.memory_space<vmem>> -> memref<1x128xi32, #tpu.memory_space<vmem>>
      %dma_start3A_39 = tpu.memref_squeeze %dma_start3A_38 : memref<1x128xi32, #tpu.memory_space<vmem>> -> memref<128xi32, #tpu.memory_space<vmem>>
      %dma_start3A_40 = arith.constant 0 : i32
      %dma_start3A_41 = arith.constant 0 : i32
      %dma_start3A_42 = tpu.memref_slice %arg2[%dma_start3A_40, %dma_start3A_41] : memref<10000x64xf32, #tpu.memory_space<hbm>> -> memref<10000x64xf32, #tpu.memory_space<hbm>>
      tpu.enqueue_indirect_dma source(%dma_start3A_42 : memref<10000x64xf32, #tpu.memory_space<hbm>>) target(%arg9 : memref<128x64xf32, #tpu.memory_space<vmem>>) offsets(%dma_start3A_39 : memref<128xi32, #tpu.memory_space<vmem>>) semaphore(%arg11 : memref<!tpu.dma_semaphore, #tpu.memory_space<semaphore_mem>>)
      %dma_wait3A = arith.constant 0 : i32
      %dma_wait3A_43 = tpu.memref_slice %arg7[%while3A_37, %dma_wait3A] : memref<55x128xi32, #tpu.memory_space<vmem>> -> memref<1x128xi32, #tpu.memory_space<vmem>>
      %dma_wait3A_44 = tpu.memref_squeeze %dma_wait3A_43 : memref<1x128xi32, #tpu.memory_space<vmem>> -> memref<128xi32, #tpu.memory_space<vmem>>
      %dma_wait3A_45 = arith.constant 0 : i32
      %dma_wait3A_46 = arith.constant 0 : i32
      %dma_wait3A_47 = tpu.memref_slice %arg2[%dma_wait3A_45, %dma_wait3A_46] : memref<10000x64xf32, #tpu.memory_space<hbm>> -> memref<10000x64xf32, #tpu.memory_space<hbm>>
      tpu.wait_indirect_dma semaphore(%arg11 : memref<!tpu.dma_semaphore, #tpu.memory_space<semaphore_mem>>) src(%dma_wait3A_47 : memref<10000x64xf32, #tpu.memory_space<hbm>>) dst(%arg9 : memref<128x64xf32, #tpu.memory_space<vmem>>)
      "tpu.region"() ({
        %run_scoped3A = tpu.sem_alloc : memref<!tpu.dma_semaphore, #tpu.memory_space<semaphore_mem>>
        %dma_start3A_48 = arith.constant 0 : i32
        %dma_start3A_49 = tpu.memref_slice %arg8[%while3A_37, %dma_start3A_48] : memref<55x128xi32, #tpu.memory_space<vmem>> -> memref<1x128xi32, #tpu.memory_space<vmem>>
        %dma_start3A_50 = tpu.memref_squeeze %dma_start3A_49 : memref<1x128xi32, #tpu.memory_space<vmem>> -> memref<128xi32, #tpu.memory_space<vmem>>
        %dma_start3A_51 = arith.constant 0 : i32
        %dma_start3A_52 = arith.constant 0 : i32
        %dma_start3A_53 = tpu.memref_slice %arg10[%dma_start3A_51, %dma_start3A_52] : memref<10112x64xf32, #tpu.memory_space<vmem_shared>> -> memref<10112x64xf32, #tpu.memory_space<vmem_shared>>
        tpu.enqueue_indirect_dma source(%arg9 : memref<128x64xf32, #tpu.memory_space<vmem>>) target(%dma_start3A_53 : memref<10112x64xf32, #tpu.memory_space<vmem_shared>>) offsets(%dma_start3A_50 : memref<128xi32, #tpu.memory_space<vmem>>) semaphore(%run_scoped3A : memref<!tpu.dma_semaphore, #tpu.memory_space<semaphore_mem>>) {add = true}
        %dma_wait3A_54 = arith.constant 0 : i32
        %dma_wait3A_55 = tpu.memref_slice %arg8[%while3A_37, %dma_wait3A_54] : memref<55x128xi32, #tpu.memory_space<vmem>> -> memref<1x128xi32, #tpu.memory_space<vmem>>
        %dma_wait3A_56 = tpu.memref_squeeze %dma_wait3A_55 : memref<1x128xi32, #tpu.memory_space<vmem>> -> memref<128xi32, #tpu.memory_space<vmem>>
        %dma_wait3A_57 = arith.constant 0 : i32
        %dma_wait3A_58 = arith.constant 0 : i32
        %dma_wait3A_59 = tpu.memref_slice %arg10[%dma_wait3A_57, %dma_wait3A_58] : memref<10112x64xf32, #tpu.memory_space<vmem_shared>> -> memref<10112x64xf32, #tpu.memory_space<vmem_shared>>
        tpu.wait_indirect_dma semaphore(%run_scoped3A : memref<!tpu.dma_semaphore, #tpu.memory_space<semaphore_mem>>) src(%arg9 : memref<128x64xf32, #tpu.memory_space<vmem>>) dst(%dma_wait3A_59 : memref<10112x64xf32, #tpu.memory_space<vmem_shared>>)
        tpu.yield
      }) : () -> ()
    }
    %while3A_31 = arith.constant 1 : i32
    scf.for %while3A_37 = %while3A_29 to %while3A_25 step %while3A_31  : i32 {
      %dma_start3A = arith.constant 0 : i32
      %dma_start3A_38 = tpu.memref_slice %arg7[%while3A_37, %dma_start3A] : memref<55x128xi32, #tpu.memory_space<vmem>> -> memref<1x128xi32, #tpu.memory_space<vmem>>
      %dma_start3A_39 = tpu.memref_squeeze %dma_start3A_38 : memref<1x128xi32, #tpu.memory_space<vmem>> -> memref<128xi32, #tpu.memory_space<vmem>>
      %dma_start3A_40 = arith.constant 0 : i32
      %dma_start3A_41 = arith.constant 0 : i32
      %dma_start3A_42 = tpu.memref_slice %arg2[%dma_start3A_40, %dma_start3A_41] : memref<10000x64xf32, #tpu.memory_space<hbm>> -> memref<10000x64xf32, #tpu.memory_space<hbm>>
      tpu.enqueue_indirect_dma source(%dma_start3A_42 : memref<10000x64xf32, #tpu.memory_space<hbm>>) target(%arg9 : memref<128x64xf32, #tpu.memory_space<vmem>>) offsets(%dma_start3A_39 : memref<128xi32, #tpu.memory_space<vmem>>) semaphore(%arg11 : memref<!tpu.dma_semaphore, #tpu.memory_space<semaphore_mem>>)
      %dma_wait3A = arith.constant 0 : i32
      %dma_wait3A_43 = tpu.memref_slice %arg7[%while3A_37, %dma_wait3A] : memref<55x128xi32, #tpu.memory_space<vmem>> -> memref<1x128xi32, #tpu.memory_space<vmem>>
      %dma_wait3A_44 = tpu.memref_squeeze %dma_wait3A_43 : memref<1x128xi32, #tpu.memory_space<vmem>> -> memref<128xi32, #tpu.memory_space<vmem>>
      %dma_wait3A_45 = arith.constant 0 : i32
      %dma_wait3A_46 = arith.constant 0 : i32
      %dma_wait3A_47 = tpu.memref_slice %arg2[%dma_wait3A_45, %dma_wait3A_46] : memref<10000x64xf32, #tpu.memory_space<hbm>> -> memref<10000x64xf32, #tpu.memory_space<hbm>>
      tpu.wait_indirect_dma semaphore(%arg11 : memref<!tpu.dma_semaphore, #tpu.memory_space<semaphore_mem>>) src(%dma_wait3A_47 : memref<10000x64xf32, #tpu.memory_space<hbm>>) dst(%arg9 : memref<128x64xf32, #tpu.memory_space<vmem>>)
      "tpu.region"() ({
        %run_scoped3A = tpu.sem_alloc : memref<!tpu.dma_semaphore, #tpu.memory_space<semaphore_mem>>
        %dma_start3A_48 = arith.constant 0 : i32
        %dma_start3A_49 = tpu.memref_slice %arg8[%while3A_37, %dma_start3A_48] : memref<55x128xi32, #tpu.memory_space<vmem>> -> memref<1x128xi32, #tpu.memory_space<vmem>>
        %dma_start3A_50 = tpu.memref_squeeze %dma_start3A_49 : memref<1x128xi32, #tpu.memory_space<vmem>> -> memref<128xi32, #tpu.memory_space<vmem>>
        %dma_start3A_51 = arith.constant 0 : i32
        %dma_start3A_52 = arith.constant 0 : i32
        %dma_start3A_53 = tpu.memref_slice %arg10[%dma_start3A_51, %dma_start3A_52] : memref<10112x64xf32, #tpu.memory_space<vmem_shared>> -> memref<10112x64xf32, #tpu.memory_space<vmem_shared>>
        tpu.enqueue_indirect_dma source(%arg9 : memref<128x64xf32, #tpu.memory_space<vmem>>) target(%dma_start3A_53 : memref<10112x64xf32, #tpu.memory_space<vmem_shared>>) offsets(%dma_start3A_50 : memref<128xi32, #tpu.memory_space<vmem>>) semaphore(%run_scoped3A : memref<!tpu.dma_semaphore, #tpu.memory_space<semaphore_mem>>) {add = true}
        %dma_wait3A_54 = arith.constant 0 : i32
        %dma_wait3A_55 = tpu.memref_slice %arg8[%while3A_37, %dma_wait3A_54] : memref<55x128xi32, #tpu.memory_space<vmem>> -> memref<1x128xi32, #tpu.memory_space<vmem>>
        %dma_wait3A_56 = tpu.memref_squeeze %dma_wait3A_55 : memref<1x128xi32, #tpu.memory_space<vmem>> -> memref<128xi32, #tpu.memory_space<vmem>>
        %dma_wait3A_57 = arith.constant 0 : i32
        %dma_wait3A_58 = arith.constant 0 : i32
        %dma_wait3A_59 = tpu.memref_slice %arg10[%dma_wait3A_57, %dma_wait3A_58] : memref<10112x64xf32, #tpu.memory_space<vmem_shared>> -> memref<10112x64xf32, #tpu.memory_space<vmem_shared>>
        tpu.wait_indirect_dma semaphore(%run_scoped3A : memref<!tpu.dma_semaphore, #tpu.memory_space<semaphore_mem>>) src(%arg9 : memref<128x64xf32, #tpu.memory_space<vmem>>) dst(%dma_wait3A_59 : memref<10112x64xf32, #tpu.memory_space<vmem_shared>>)
        tpu.yield
      }) : () -> ()
    }
    %barrier3A_32 = arith.constant 0 : index
    tpu.barrier barrier_id(%barrier3A_32)
    %mul3A_33 = arith.constant 632 : i32
    %mul3A_34 = arith.muli %arg1, %mul3A_33 : i32
    %mul3A_35 = arith.constant 632 : i32
    %mul3A_36 = arith.muli %arg1, %mul3A_35 : i32
    "tpu.region"() ({
      %run_scoped3A = tpu.sem_alloc : memref<!tpu.dma_semaphore, #tpu.memory_space<semaphore_mem>>
      %dma_start3A = arith.constant 0 : i32
      %dma_start3A_37 = tpu.memref_slice %arg6[%arg0, %mul3A_36, %dma_start3A] : memref<2x10112x64xf32, #tpu.memory_space<hbm>> -> memref<1x632x64xf32, #tpu.memory_space<hbm>>
      %dma_start3A_38 = tpu.memref_squeeze %dma_start3A_37 : memref<1x632x64xf32, #tpu.memory_space<hbm>> -> memref<632x64xf32, #tpu.memory_space<hbm>>
      %dma_start3A_39 = arith.constant 0 : i32
      %dma_start3A_40 = tpu.memref_slice %arg10[%mul3A_34, %dma_start3A_39] : memref<10112x64xf32, #tpu.memory_space<vmem_shared>> -> memref<632x64xf32, #tpu.memory_space<vmem_shared>>
      tpu.enqueue_dma source(%dma_start3A_40 : memref<632x64xf32, #tpu.memory_space<vmem_shared>>) target(%dma_start3A_38 : memref<632x64xf32, #tpu.memory_space<hbm>>) target_semaphore(%run_scoped3A : memref<!tpu.dma_semaphore, #tpu.memory_space<semaphore_mem>>)
      %dma_wait3A = arith.constant 0 : i32
      %dma_wait3A_41 = tpu.memref_slice %arg6[%arg0, %mul3A_36, %dma_wait3A] : memref<2x10112x64xf32, #tpu.memory_space<hbm>> -> memref<1x632x64xf32, #tpu.memory_space<hbm>>
      %dma_wait3A_42 = tpu.memref_squeeze %dma_wait3A_41 : memref<1x632x64xf32, #tpu.memory_space<hbm>> -> memref<632x64xf32, #tpu.memory_space<hbm>>
      %dma_wait3A_43 = arith.constant 0 : i32
      %dma_wait3A_44 = tpu.memref_slice %arg10[%mul3A_34, %dma_wait3A_43] : memref<10112x64xf32, #tpu.memory_space<vmem_shared>> -> memref<632x64xf32, #tpu.memory_space<vmem_shared>>
      tpu.wait_dma2 semaphore(%run_scoped3A : memref<!tpu.dma_semaphore, #tpu.memory_space<semaphore_mem>>) src(%dma_wait3A_44 : memref<632x64xf32, #tpu.memory_space<vmem_shared>>) dst(%dma_wait3A_42 : memref<632x64xf32, #tpu.memory_space<hbm>>)
      tpu.yield
    }) : () -> ()
    return
  }
}

module attributes {stable_mosaic.version = 14 : i64} {
  func.func @_stage1_body(%arg0: i32, %arg1: memref<2000x128xf32, #tpu.memory_space<vmem>>, %arg2: memref<128x64xf32, #tpu.memory_space<vmem>>, %arg3: memref<2x2000x16xf32, #tpu.memory_space<vmem>>, %arg4: memref<2000x64xf32, #tpu.memory_space<vmem>>, %arg5: memref<2000x1xf32, #tpu.memory_space<vmem>>) attributes {dimension_semantics = [#tpu.dimension_semantics<arbitrary>], iteration_bounds = array<i64: 5>, scalar_prefetch = 0 : i64, scratch_operands = 0 : i64, tpu.core_type = #tpu.core_type<tc>, window_params = [{transform_indices = @transform_0, window_bounds = array<i64: 2000, 128>}, {pipeline_mode = #tpu.pipeline_mode<synchronous>, transform_indices = @transform_1, window_bounds = array<i64: 128, 64>}, {transform_indices = @transform_2, window_bounds = array<i64: 2, 2000, 16>}, {transform_indices = @transform_3, window_bounds = array<i64: 2000, 64>}, {transform_indices = @transform_4, window_bounds = array<i64: 2000, 1>}]} {
    %get3A = arith.constant 0 : index
    %get3A_0 = arith.constant 0 : index
    %get3A_1 = arith.constant 0 : index
    %get3A_2 = vector.load %arg3[%get3A, %get3A_0, %get3A_1] : memref<2x2000x16xf32, #tpu.memory_space<vmem>>, vector<1x2000x1xf32>
    %get3A_3 = vector.shape_cast %get3A_2 : vector<1x2000x1xf32> to vector<2000x1xf32>
    %get3A_4 = arith.constant 1 : index
    %get3A_5 = arith.constant 0 : index
    %get3A_6 = arith.constant 0 : index
    %get3A_7 = vector.load %arg3[%get3A_4, %get3A_5, %get3A_6] : memref<2x2000x16xf32, #tpu.memory_space<vmem>>, vector<1x2000x1xf32>
    %get3A_8 = vector.shape_cast %get3A_7 : vector<1x2000x1xf32> to vector<2000x1xf32>
    %add3A = arith.addf %get3A_3, %get3A_8 : vector<2000x1xf32>
    %add3A_9 = arith.constant 1.000000e+00 : f32
    %add3A_10 = vector.broadcast %add3A_9 : f32 to vector<2000x1xf32>
    %add3A_11 = arith.addf %add3A, %add3A_10 : vector<2000x1xf32>
    %rsqrt3A = math.rsqrt %add3A_11 : vector<2000x1xf32>
    %get3A_12 = arith.constant 0 : index
    %get3A_13 = arith.constant 0 : index
    %get3A_14 = vector.load %arg1[%get3A_12, %get3A_13] : memref<2000x128xf32, #tpu.memory_space<vmem>>, vector<2000x128xf32>
    %get3A_15 = arith.constant 0 : index
    %get3A_16 = arith.constant 0 : index
    %get3A_17 = vector.load %arg2[%get3A_15, %get3A_16] : memref<128x64xf32, #tpu.memory_space<vmem>>, vector<128x64xf32>
    %dot_general3A = arith.constant dense<0.000000e+00> : vector<2000x64xf32>
    %dot_general3A_18 = tpu.matmul %get3A_14, %get3A_17, %dot_general3A {dimension_numbers = #tpu.dot_dimension_numbers<[1], [0], [0], [1], [0, 0, 1, 1], [], []>, transpose_lhs_hint = false} : vector<2000x128xf32>, vector<128x64xf32>, vector<2000x64xf32> -> vector<2000x64xf32>
    %mul3A = vector.broadcast %rsqrt3A : vector<2000x1xf32> to vector<2000x64xf32>
    %mul3A_19 = arith.mulf %dot_general3A_18, %mul3A : vector<2000x64xf32>
    %swap3A = arith.constant 0 : index
    %swap3A_20 = arith.constant 0 : index
    %swap3A_21 = vector.load %arg4[%swap3A, %swap3A_20] : memref<2000x64xf32, #tpu.memory_space<vmem>>, vector<2000x64xf32>
    tpu.vector_store %arg4[%swap3A, %swap3A_20], %mul3A_19 {strides = array<i32>} : memref<2000x64xf32, #tpu.memory_space<vmem>>, vector<2000x64xf32>,
    %swap3A_22 = arith.constant 0 : index
    %swap3A_23 = arith.constant 0 : index
    %swap3A_24 = vector.load %arg5[%swap3A_22, %swap3A_23] : memref<2000x1xf32, #tpu.memory_space<vmem>>, vector<2000x1xf32>
    tpu.vector_store %arg5[%swap3A_22, %swap3A_23], %rsqrt3A {strides = array<i32>} : memref<2000x1xf32, #tpu.memory_space<vmem>>, vector<2000x1xf32>,
    return
  }
  func.func @transform_0(%arg0: i32) -> (i32, i32) {
    %c0_i32 = arith.constant 0 : i32
    %c0_i32_0 = arith.constant 0 : i32
    return %arg0, %c0_i32 : i32, i32
  }
  func.func @transform_1(%arg0: i32) -> (i32, i32) {
    %c0_i32 = arith.constant 0 : i32
    %c0_i32_0 = arith.constant 0 : i32
    %c0_i32_1 = arith.constant 0 : i32
    return %c0_i32, %c0_i32_0 : i32, i32
  }
  func.func @transform_2(%arg0: i32) -> (i32, i32, i32) {
    %c0_i32 = arith.constant 0 : i32
    %c0_i32_0 = arith.constant 0 : i32
    %c0_i32_1 = arith.constant 0 : i32
    return %c0_i32, %arg0, %c0_i32_0 : i32, i32, i32
  }
  func.func @transform_3(%arg0: i32) -> (i32, i32) {
    %c0_i32 = arith.constant 0 : i32
    %c0_i32_0 = arith.constant 0 : i32
    return %arg0, %c0_i32 : i32, i32
  }
  func.func @transform_4(%arg0: i32) -> (i32, i32) {
    %c0_i32 = arith.constant 0 : i32
    %c0_i32_0 = arith.constant 0 : i32
    return %arg0, %c0_i32 : i32, i32
  }
}

module attributes {stable_mosaic.version = 14 : i64} {
  func.func @_stage2_body(%arg0: i32, %arg1: memref<2x2000x64xf32, #tpu.memory_space<vmem>>, %arg2: memref<2000x64xf32, #tpu.memory_space<vmem>>, %arg3: memref<2000x1xf32, #tpu.memory_space<vmem>>, %arg4: memref<64x128xf32, #tpu.memory_space<vmem>>, %arg5: memref<1x64xf32, #tpu.memory_space<vmem>>, %arg6: memref<2000x128xf32, #tpu.memory_space<vmem>>) attributes {dimension_semantics = [#tpu.dimension_semantics<arbitrary>], iteration_bounds = array<i64: 5>, scalar_prefetch = 0 : i64, scratch_operands = 0 : i64, tpu.core_type = #tpu.core_type<tc>, window_params = [{transform_indices = @transform_0, window_bounds = array<i64: 2, 2000, 64>}, {transform_indices = @transform_1, window_bounds = array<i64: 2000, 64>}, {transform_indices = @transform_2, window_bounds = array<i64: 2000, 1>}, {pipeline_mode = #tpu.pipeline_mode<synchronous>, transform_indices = @transform_3, window_bounds = array<i64: 64, 128>}, {pipeline_mode = #tpu.pipeline_mode<synchronous>, transform_indices = @transform_4, window_bounds = array<i64: 1, 64>}, {transform_indices = @transform_5, window_bounds = array<i64: 2000, 128>}]} {
    %get3A = arith.constant 0 : index
    %get3A_0 = arith.constant 0 : index
    %get3A_1 = vector.load %arg3[%get3A, %get3A_0] : memref<2000x1xf32, #tpu.memory_space<vmem>>, vector<2000x1xf32>
    %get3A_2 = arith.constant 0 : index
    %get3A_3 = arith.constant 0 : index
    %get3A_4 = arith.constant 0 : index
    %get3A_5 = vector.load %arg1[%get3A_2, %get3A_3, %get3A_4] : memref<2x2000x64xf32, #tpu.memory_space<vmem>>, vector<1x2000x64xf32>
    %get3A_6 = vector.shape_cast %get3A_5 : vector<1x2000x64xf32> to vector<2000x64xf32>
    %get3A_7 = arith.constant 1 : index
    %get3A_8 = arith.constant 0 : index
    %get3A_9 = arith.constant 0 : index
    %get3A_10 = vector.load %arg1[%get3A_7, %get3A_8, %get3A_9] : memref<2x2000x64xf32, #tpu.memory_space<vmem>>, vector<1x2000x64xf32>
    %get3A_11 = vector.shape_cast %get3A_10 : vector<1x2000x64xf32> to vector<2000x64xf32>
    %add3A = arith.addf %get3A_6, %get3A_11 : vector<2000x64xf32>
    %mul3A = vector.broadcast %get3A_1 : vector<2000x1xf32> to vector<2000x64xf32>
    %mul3A_12 = arith.mulf %add3A, %mul3A : vector<2000x64xf32>
    %get3A_13 = arith.constant 0 : index
    %get3A_14 = arith.constant 0 : index
    %get3A_15 = vector.load %arg2[%get3A_13, %get3A_14] : memref<2000x64xf32, #tpu.memory_space<vmem>>, vector<2000x64xf32>
    %mul3A_16 = vector.broadcast %get3A_1 : vector<2000x1xf32> to vector<2000x64xf32>
    %mul3A_17 = arith.mulf %get3A_15, %mul3A_16 : vector<2000x64xf32>
    %add3A_18 = arith.addf %mul3A_12, %mul3A_17 : vector<2000x64xf32>
    %get3A_19 = arith.constant 0 : index
    %get3A_20 = arith.constant 0 : index
    %get3A_21 = vector.load %arg5[%get3A_19, %get3A_20] : memref<1x64xf32, #tpu.memory_space<vmem>>, vector<1x64xf32>
    %add3A_22 = vector.broadcast %get3A_21 : vector<1x64xf32> to vector<2000x64xf32>
    %add3A_23 = arith.addf %add3A_18, %add3A_22 : vector<2000x64xf32>
    %max3A = arith.constant 0.000000e+00 : f32
    %max3A_24 = vector.broadcast %max3A : f32 to vector<2000x64xf32>
    %max3A_25 = arith.maximumf %add3A_23, %max3A_24 : vector<2000x64xf32>
    %get3A_26 = arith.constant 0 : index
    %get3A_27 = arith.constant 0 : index
    %get3A_28 = vector.load %arg4[%get3A_26, %get3A_27] : memref<64x128xf32, #tpu.memory_space<vmem>>, vector<64x128xf32>
    %dot_general3A = arith.constant dense<0.000000e+00> : vector<2000x128xf32>
    %dot_general3A_29 = tpu.matmul %max3A_25, %get3A_28, %dot_general3A {dimension_numbers = #tpu.dot_dimension_numbers<[1], [0], [0], [1], [0, 0, 1, 1], [], []>, transpose_lhs_hint = false} : vector<2000x64xf32>, vector<64x128xf32>, vector<2000x128xf32> -> vector<2000x128xf32>
    %mul3A_30 = vector.broadcast %get3A_1 : vector<2000x1xf32> to vector<2000x128xf32>
    %mul3A_31 = arith.mulf %dot_general3A_29, %mul3A_30 : vector<2000x128xf32>
    %swap3A = arith.constant 0 : index
    %swap3A_32 = arith.constant 0 : index
    %swap3A_33 = vector.load %arg6[%swap3A, %swap3A_32] : memref<2000x128xf32, #tpu.memory_space<vmem>>, vector<2000x128xf32>
    tpu.vector_store %arg6[%swap3A, %swap3A_32], %mul3A_31 {strides = array<i32>} : memref<2000x128xf32, #tpu.memory_space<vmem>>, vector<2000x128xf32>,
    return
  }
  func.func @transform_0(%arg0: i32) -> (i32, i32, i32) {
    %c0_i32 = arith.constant 0 : i32
    %c0_i32_0 = arith.constant 0 : i32
    %c0_i32_1 = arith.constant 0 : i32
    return %c0_i32, %arg0, %c0_i32_0 : i32, i32, i32
  }
  func.func @transform_1(%arg0: i32) -> (i32, i32) {
    %c0_i32 = arith.constant 0 : i32
    %c0_i32_0 = arith.constant 0 : i32
    return %arg0, %c0_i32 : i32, i32
  }
  func.func @transform_2(%arg0: i32) -> (i32, i32) {
    %c0_i32 = arith.constant 0 : i32
    %c0_i32_0 = arith.constant 0 : i32
    return %arg0, %c0_i32 : i32, i32
  }
  func.func @transform_3(%arg0: i32) -> (i32, i32) {
    %c0_i32 = arith.constant 0 : i32
    %c0_i32_0 = arith.constant 0 : i32
    %c0_i32_1 = arith.constant 0 : i32
    return %c0_i32, %c0_i32_0 : i32, i32
  }
  func.func @transform_4(%arg0: i32) -> (i32, i32) {
    %c0_i32 = arith.constant 0 : i32
    %c0_i32_0 = arith.constant 0 : i32
    %c0_i32_1 = arith.constant 0 : i32
    return %c0_i32, %c0_i32_0 : i32, i32
  }
  func.func @transform_5(%arg0: i32) -> (i32, i32) {
    %c0_i32 = arith.constant 0 : i32
    %c0_i32_0 = arith.constant 0 : i32
    return %arg0, %c0_i32 : i32, i32
  }
}

module attributes {stable_mosaic.version = 14 : i64} {
  func.func @_stage3_body(%arg0: i32, %arg1: memref<2x2000x128xf32, #tpu.memory_space<vmem>>, %arg2: memref<2000x128xf32, #tpu.memory_space<vmem>>, %arg3: memref<2000x1xf32, #tpu.memory_space<vmem>>, %arg4: memref<1x128xf32, #tpu.memory_space<vmem>>, %arg5: memref<1x128xf32, #tpu.memory_space<vmem>>, %arg6: memref<1x1xf32, #tpu.memory_space<vmem>>, %arg7: memref<1x1xf32, #tpu.memory_space<vmem>>, %arg8: memref<1x128xf32, #tpu.memory_space<vmem>>) attributes {dimension_semantics = [#tpu.dimension_semantics<arbitrary>], iteration_bounds = array<i64: 5>, scalar_prefetch = 0 : i64, scratch_operands = 1 : i64, tpu.core_type = #tpu.core_type<tc>, window_params = [{transform_indices = @transform_0, window_bounds = array<i64: 2, 2000, 128>}, {transform_indices = @transform_1, window_bounds = array<i64: 2000, 128>}, {transform_indices = @transform_2, window_bounds = array<i64: 2000, 1>}, {pipeline_mode = #tpu.pipeline_mode<synchronous>, transform_indices = @transform_3, window_bounds = array<i64: 1, 128>}, {pipeline_mode = #tpu.pipeline_mode<synchronous>, transform_indices = @transform_4, window_bounds = array<i64: 1, 128>}, {pipeline_mode = #tpu.pipeline_mode<synchronous>, transform_indices = @transform_5, window_bounds = array<i64: 1, 1>}, {pipeline_mode = #tpu.pipeline_mode<synchronous>, transform_indices = @transform_6, window_bounds = array<i64: 1, 1>}]} {
    %eq3A = arith.constant 0 : i32
    %eq3A_0 = arith.cmpi eq, %arg0, %eq3A : i32
    %convert_element_type3A = arith.extui %eq3A_0 : i1 to i32
    %cond3A = arith.constant 0 : i32
    %cond3A_1 = arith.cmpi ne, %convert_element_type3A, %cond3A : i32
    scf.if %cond3A_1 {
      %broadcast_in_dim3A_40 = arith.constant 0.000000e+00 : f32
      %broadcast_in_dim3A_41 = vector.broadcast %broadcast_in_dim3A_40 : f32 to vector<1x128xf32>
      %swap3A_42 = arith.constant 0 : index
      %swap3A_43 = arith.constant 0 : index
      %swap3A_44 = vector.load %arg8[%swap3A_42, %swap3A_43] : memref<1x128xf32, #tpu.memory_space<vmem>>, vector<1x128xf32>
      tpu.vector_store %arg8[%swap3A_42, %swap3A_43], %broadcast_in_dim3A_41 {strides = array<i32>} : memref<1x128xf32, #tpu.memory_space<vmem>>, vector<1x128xf32>,
    } else {
    }
    %get3A = arith.constant 0 : index
    %get3A_2 = arith.constant 0 : index
    %get3A_3 = vector.load %arg3[%get3A, %get3A_2] : memref<2000x1xf32, #tpu.memory_space<vmem>>, vector<2000x1xf32>
    %get3A_4 = arith.constant 0 : index
    %get3A_5 = arith.constant 0 : index
    %get3A_6 = arith.constant 0 : index
    %get3A_7 = vector.load %arg1[%get3A_4, %get3A_5, %get3A_6] : memref<2x2000x128xf32, #tpu.memory_space<vmem>>, vector<1x2000x128xf32>
    %get3A_8 = vector.shape_cast %get3A_7 : vector<1x2000x128xf32> to vector<2000x128xf32>
    %get3A_9 = arith.constant 1 : index
    %get3A_10 = arith.constant 0 : index
    %get3A_11 = arith.constant 0 : index
    %get3A_12 = vector.load %arg1[%get3A_9, %get3A_10, %get3A_11] : memref<2x2000x128xf32, #tpu.memory_space<vmem>>, vector<1x2000x128xf32>
    %get3A_13 = vector.shape_cast %get3A_12 : vector<1x2000x128xf32> to vector<2000x128xf32>
    %add3A = arith.addf %get3A_8, %get3A_13 : vector<2000x128xf32>
    %mul3A = vector.broadcast %get3A_3 : vector<2000x1xf32> to vector<2000x128xf32>
    %mul3A_14 = arith.mulf %add3A, %mul3A : vector<2000x128xf32>
    %get3A_15 = arith.constant 0 : index
    %get3A_16 = arith.constant 0 : index
    %get3A_17 = vector.load %arg2[%get3A_15, %get3A_16] : memref<2000x128xf32, #tpu.memory_space<vmem>>, vector<2000x128xf32>
    %mul3A_18 = vector.broadcast %get3A_3 : vector<2000x1xf32> to vector<2000x128xf32>
    %mul3A_19 = arith.mulf %get3A_17, %mul3A_18 : vector<2000x128xf32>
    %add3A_20 = arith.addf %mul3A_14, %mul3A_19 : vector<2000x128xf32>
    %get3A_21 = arith.constant 0 : index
    %get3A_22 = arith.constant 0 : index
    %get3A_23 = vector.load %arg4[%get3A_21, %get3A_22] : memref<1x128xf32, #tpu.memory_space<vmem>>, vector<1x128xf32>
    %add3A_24 = vector.broadcast %get3A_23 : vector<1x128xf32> to vector<2000x128xf32>
    %add3A_25 = arith.addf %add3A_20, %add3A_24 : vector<2000x128xf32>
    %max3A = arith.constant 0.000000e+00 : f32
    %max3A_26 = vector.broadcast %max3A : f32 to vector<2000x128xf32>
    %max3A_27 = arith.maximumf %add3A_25, %max3A_26 : vector<2000x128xf32>
    %get3A_28 = arith.constant 0 : index
    %get3A_29 = arith.constant 0 : index
    %get3A_30 = vector.load %arg8[%get3A_28, %get3A_29] : memref<1x128xf32, #tpu.memory_space<vmem>>, vector<1x128xf32>
    %reduce_sum3A = arith.constant dense<0.000000e+00> : vector<128xf32>
    %reduce_sum3A_31 = vector.multi_reduction <add>, %max3A_27, %reduce_sum3A [0] : vector<2000x128xf32> to vector<128xf32>
    %broadcast_in_dim3A = vector.shape_cast %reduce_sum3A_31 : vector<128xf32> to vector<1x128xf32>
    %add3A_32 = arith.addf %get3A_30, %broadcast_in_dim3A : vector<1x128xf32>
    %swap3A = arith.constant 0 : index
    %swap3A_33 = arith.constant 0 : index
    %swap3A_34 = vector.load %arg8[%swap3A, %swap3A_33] : memref<1x128xf32, #tpu.memory_space<vmem>>, vector<1x128xf32>
    tpu.vector_store %arg8[%swap3A, %swap3A_33], %add3A_32 {strides = array<i32>} : memref<1x128xf32, #tpu.memory_space<vmem>>, vector<1x128xf32>,
    %eq3A_35 = arith.constant 4 : i32
    %eq3A_36 = arith.cmpi eq, %arg0, %eq3A_35 : i32
    %convert_element_type3A_37 = arith.extui %eq3A_36 : i1 to i32
    %cond3A_38 = arith.constant 0 : i32
    %cond3A_39 = arith.cmpi ne, %convert_element_type3A_37, %cond3A_38 : i32
    scf.if %cond3A_39 {
      %get3A_40 = arith.constant 0 : index
      %get3A_41 = arith.constant 0 : index
      %get3A_42 = vector.load %arg8[%get3A_40, %get3A_41] : memref<1x128xf32, #tpu.memory_space<vmem>>, vector<1x128xf32>
      %mul3A_43 = arith.constant 9.99999974E-5 : f32
      %mul3A_44 = vector.broadcast %mul3A_43 : f32 to vector<1x128xf32>
      %mul3A_45 = arith.mulf %get3A_42, %mul3A_44 : vector<1x128xf32>
      %get3A_46 = arith.constant 0 : index
      %get3A_47 = arith.constant 0 : index
      %get3A_48 = vector.load %arg5[%get3A_46, %get3A_47] : memref<1x128xf32, #tpu.memory_space<vmem>>, vector<1x128xf32>
      %mul3A_49 = arith.mulf %mul3A_45, %get3A_48 : vector<1x128xf32>
      %reduce_sum3A_50 = arith.constant dense<0.000000e+00> : vector<1xf32>
      %reduce_sum3A_51 = vector.multi_reduction <add>, %mul3A_49, %reduce_sum3A_50 [1] : vector<1x128xf32> to vector<1xf32>
      %broadcast_in_dim3A_52 = vector.shape_cast %reduce_sum3A_51 : vector<1xf32> to vector<1x1xf32>
      %get3A_53 = arith.constant 0 : index
      %get3A_54 = arith.constant 0 : index
      %get3A_55 = vector.load %arg6[%get3A_53, %get3A_54] : memref<1x1xf32, #tpu.memory_space<vmem>>, vector<1x1xf32>
      %add3A_56 = arith.addf %broadcast_in_dim3A_52, %get3A_55 : vector<1x1xf32>
      %swap3A_57 = arith.constant 0 : index
      %swap3A_58 = arith.constant 0 : index
      %swap3A_59 = vector.load %arg7[%swap3A_57, %swap3A_58] : memref<1x1xf32, #tpu.memory_space<vmem>>, vector<1x1xf32>
      tpu.vector_store %arg7[%swap3A_57, %swap3A_58], %add3A_56 {strides = array<i32>} : memref<1x1xf32, #tpu.memory_space<vmem>>, vector<1x1xf32>,
    } else {
    }
    return
  }
  func.func @transform_0(%arg0: i32) -> (i32, i32, i32) {
    %c0_i32 = arith.constant 0 : i32
    %c0_i32_0 = arith.constant 0 : i32
    %c0_i32_1 = arith.constant 0 : i32
    return %c0_i32, %arg0, %c0_i32_0 : i32, i32, i32
  }
  func.func @transform_1(%arg0: i32) -> (i32, i32) {
    %c0_i32 = arith.constant 0 : i32
    %c0_i32_0 = arith.constant 0 : i32
    return %arg0, %c0_i32 : i32, i32
  }
  func.func @transform_2(%arg0: i32) -> (i32, i32) {
    %c0_i32 = arith.constant 0 : i32
    %c0_i32_0 = arith.constant 0 : i32
    return %arg0, %c0_i32 : i32, i32
  }
  func.func @transform_3(%arg0: i32) -> (i32, i32) {
    %c0_i32 = arith.constant 0 : i32
    %c0_i32_0 = arith.constant 0 : i32
    %c0_i32_1 = arith.constant 0 : i32
    return %c0_i32, %c0_i32_0 : i32, i32
  }
  func.func @transform_4(%arg0: i32) -> (i32, i32) {
    %c0_i32 = arith.constant 0 : i32
    %c0_i32_0 = arith.constant 0 : i32
    %c0_i32_1 = arith.constant 0 : i32
    return %c0_i32, %c0_i32_0 : i32, i32
  }
  func.func @transform_5(%arg0: i32) -> (i32, i32) {
    %c0_i32 = arith.constant 0 : i32
    %c0_i32_0 = arith.constant 0 : i32
    %c0_i32_1 = arith.constant 0 : i32
    return %c0_i32, %c0_i32_0 : i32, i32
  }
  func.func @transform_6(%arg0: i32) -> (i32, i32) {
    %c0_i32 = arith.constant 0 : i32
    %c0_i32_0 = arith.constant 0 : i32
    %c0_i32_1 = arith.constant 0 : i32
    return %c0_i32, %c0_i32_0 : i32, i32
  }
}

</mosaic_0001>

<sc_bundles>
// kernel: kernel.11.cloned.1.call-start
scs
__scs_entry_jumppad:
0x0: {  	(pc) =	sbr.rel $0x88, $3  }
0x1: {  	(tag) =	ssettag $0x0;
	lr =	simm.s32 $0x1  }
0x2: {  	[smem:$0x3F99] =	sst lr;
	_ =	strace $0xD0000000  }
0x3: {  	_ = 	snop  }
0x4: {  	_ = 	snop  }
0x5: {  	_ = 	snop  }
0x6: {  	_ = 	snop  }
0x7: {  	_ = 	snop  }
__scs_overlays_trampoline_lowered:
0x8: {  	[smem:$0x3FA8] =	sst s0  }
0x9: {  	[smem:$0x3FA9] =	sst s1  }
0xa: {  	[smem:$0x3FAA] =	sst s2  }
0xb: {  	[smem:$0x3FAB] =	sst s3  }
0xc: {  	[smem:$0x3FAC] =	sst s4  }
0xd: {  	[smem:$0x3FAD] =	sst s5  }
0xe: {  	[smem:$0x3FAE] =	sst s6  }
0xf: {  	[smem:$0x3FAF] =	sst s7  }
0x10: {  	[smem:$0x3FB0] =	sst s8  }
0x11: {  	[smem:$0x3FB1] =	sst s9;
	s0 =	simm.s32 @!p0 $0x0  }
0x12: {  	s1 =	sld [smem:$0x3F97];
	s0 =	simm.s32 @p0 $0x1  }
0x13: {  	[smem:$0x3FB2] =	sst s0;
	s0 =	simm.s32 @!p1 $0x0  }
0x14: {  	s2 =	sld [smem:$0x3F96];
	s0 =	simm.s32 @p1 $0x1  }
0x15: {  	[smem:$0x3FB3] =	sst s0;
	s0 =	simm.s32 @!p2 $0x0  }
0x16: {  	s3 =	sld [smem:$0x3FDB];
	s0 =	simm.s32 @p2 $0x1  }
0x17: {  	s4 =	simm.s32 $0x1BF5;
	[smem:$0x3FB5] =	sst s0  }
0x18: {  	s0 =	sld [smem:$0x3F98];
	_ =	swait.ge [sflag:s4], $0x0  }
0x19: {  	s7 =	sld [smem:$0x3F99]  }
0x1a: {  	s8 =	sadd.s32 $0xFFFFE003, lr  }
0x1b: {  	s9 =	sadd.s32 $0xFFFFFEF7, lr;
	s5 =	simm.s32 $0xFFFFFFFF;
	p2 =	slt.u32 s8, $0xFFFFF086  }
0x1c: {  	p1 =	slt.u32 s9, $0xF7A;
	s5 =	simm.s32 @!p2 $0x0  }
0x1d: {  	s5 =	simm.s32 @p1 $0x1;
	p0 =	seq.s32 s7, s2  }
0x1e: {  	s7 =	smul.u32 @!p0 $0xF7A, s2;
	p2 =	seq.s32 @!p0 s5, $0x0  }
0x1f: {  	s9 =	smul.u32 $0xF7A, s1;
	s8 =	simm.s32 @!p0 $0x1BF5;
	p2 =	por !p2, p0  }
0x20: {  	[sflag:s8] =	ssyncset.s32 @!p0 $0xFFFFF086;
	s6 =	sadd.s32 @!p0 s3, s7;
	s7 =	simm.s32 @!p0 $0x108  }
0x21: {  	s3 =	sadd.s32 s3, s9;
	s6 =	sadd.s32 @!p0 $0x88, s6;
	s7 =	simm.s32 @p2 $0x1082  }
0x22: {  	[simem:s7], [sflag:s8] =	dma.local @!p0 [hbm:s6], $0xF7A  }
0x23: {  	s9 =	sor.u32 $0xD0000000, s2;
	s6 =	simm.s32 $0x108;
	_ =	swait.ge @!p0 [sflag:s8], $0x0  }
0x24: {  	s3 =	sadd.s32 $0x88, s3;
	s6 =	simm.s32 @!p1 $0x1082;
	[sflag:s4] =	ssyncset.s32 $0xFFFFF086  }
0x25: {  	[simem:s6], [sflag:s4] =	dma.local [hbm:s3], $0xF7A  }
0x26: {  	[smem:$0x3F99] =	sst s1;
	(tag) =	ssettag s2;
	_ =	strace s9  }
0x27: {  	s1 =	sld [smem:$0x3FA9]  }
0x28: {  	s2 =	sld [smem:$0x3FAA]  }
0x29: {  	s4 =	sld [smem:$0x3FAC]  }
0x2a: {  	p0 =	seq.s32 s5, $0x0;
	s5 =	sld [smem:$0x3FAD]  }
0x2b: {  	s6 =	sld [smem:$0x3FAE]  }
0x2c: {  	s7 =	sld [smem:$0x3FAF]  }
0x2d: {  	s3 =	simm.s32 $0x108;
	s8 =	sld [smem:$0x3FB0]  }
0x2e: {  	s3 =	simm.s32 @!p0 $0x1082;
	s9 =	sld [smem:$0x3FB1]  }
0x2f: {  	lr =	sadd.s32 s0, s3;
	s0 =	sld [smem:$0x3FA8]  }
0x30: {  	s3 =	sld [smem:$0x3FAB]  }
0x31: {  	[smem:$0x3FB4] =	sst s10  }
0x32: {  	s10 =	sld [smem:$0x3FB2];
	_ =	sdelay $0x3  }
0x33: {  	p0 =	seq.s32 s10, $0x1;
	s10 =	sld [smem:$0x3FB4];
	_ =	sdelay $0x3  }
0x34: {  	[smem:$0x3FB4] =	sst s10  }
0x35: {  	s10 =	sld [smem:$0x3FB3];
	_ =	sdelay $0x3  }
0x36: {  	p1 =	seq.s32 s10, $0x1;
	s10 =	sld [smem:$0x3FB4];
	_ =	sdelay $0x3  }
0x37: {  	[smem:$0x3FB4] =	sst s10  }
0x38: {  	s10 =	sld [smem:$0x3FB5]  }
0x39: {  	_ = 	snop;
	(pc) =	sbr.ind lr, $3  }
0x3a: {  	_ = 	snop  }
0x3b: {  	_ = 	snop  }
0x3c: {  	p2 =	seq.s32 s10, $0x1;
	s10 =	sld [smem:$0x3FB4]  }
0x3d: {  	_ =	shalt  }
0x3e: {  	_ =	shalt  }
0x3f: {  	_ =	shalt  }
0x40: {  	_ =	shalt  }
0x41: {  	_ =	shalt  }
0x42: {  	_ =	shalt  }
0x43: {  	_ =	shalt  }
0x44: {  	_ =	shalt  }
0x45: {  	_ =	shalt  }
0x46: {  	_ =	shalt  }
0x47: {  	_ =	shalt  }
0x48: {  	_ =	shalt  }
0x49: {  	_ =	shalt  }
0x4a: {  	_ =	shalt  }
0x4b: {  	_ =	shalt  }
0x4c: {  	_ =	shalt  }
0x4d: {  	_ =	shalt  }
0x4e: {  	_ =	shalt  }
0x4f: {  	_ =	shalt  }
0x50: {  	_ =	shalt  }
0x51: {  	_ =	shalt  }
0x52: {  	_ =	shalt  }
0x53: {  	_ =	shalt  }
0x54: {  	_ =	shalt  }
0x55: {  	_ =	shalt  }
0x56: {  	_ =	shalt  }
0x57: {  	_ =	shalt  }
0x58: {  	_ =	shalt  }
0x59: {  	_ =	shalt  }
0x5a: {  	_ =	shalt  }
0x5b: {  	_ =	shalt  }
0x5c: {  	_ =	shalt  }
0x5d: {  	_ =	shalt  }
0x5e: {  	_ =	shalt  }
0x5f: {  	_ =	shalt  }
0x60: {  	_ =	shalt  }
0x61: {  	_ =	shalt  }
0x62: {  	_ =	shalt  }
0x63: {  	_ =	shalt  }
0x64: {  	_ =	shalt  }
0x65: {  	_ =	shalt  }
0x66: {  	_ =	shalt  }
0x67: {  	_ =	shalt  }
0x68: {  	_ =	shalt  }
0x69: {  	_ =	shalt  }
0x6a: {  	_ =	shalt  }
0x6b: {  	_ =	shalt  }
0x6c: {  	_ =	shalt  }
0x6d: {  	_ =	shalt  }
0x6e: {  	_ =	shalt  }
0x6f: {  	_ =	shalt  }
0x70: {  	_ =	shalt  }
0x71: {  	_ =	shalt  }
0x72: {  	_ =	shalt  }
0x73: {  	_ =	shalt  }
0x74: {  	_ =	shalt  }
0x75: {  	_ =	shalt  }
0x76: {  	_ =	shalt  }
0x77: {  	_ =	shalt  }
0x78: {  	_ =	shalt  }
0x79: {  	_ =	shalt  }
0x7a: {  	_ =	shalt  }
0x7b: {  	_ =	shalt  }
0x7c: {  	_ =	shalt  }
0x7d: {  	_ =	shalt  }
0x7e: {  	_ =	shalt  }
0x7f: {  	_ =	shalt  }
0x80: {  	_ =	shalt  }
0x81: {  	_ =	shalt  }
0x82: {  	_ =	shalt  }
0x83: {  	_ =	shalt  }
0x84: {  	_ =	shalt  }
0x85: {  	_ =	shalt  }
0x86: {  	_ =	shalt  }
0x87: {  	_ =	shalt  }
.Lfunc_end0:
.L_simem_size_0:
called_computation.1_lowered:
.L_overlay_start_0:
0x88: {  	s2 =	sld [smem:$0x3FD9]  }
0x89: {  	s3 =	sld [smem:$0x3FFE];
	_ =	sdelay $0x1  }
0x8a: {  	s1 =	srdreg.scid  }
0x8b: {  	s0 =	sand.u32 $0x1, s1  }
0x8c: {  	s16 =	sshll.u32 s0, $0xA;
	s2 =	sadd.s32 s3, s2  }
0x8d: {  	s2 =	sadd.s32 s2, s16  }
0x8e: {  	[smem:$0x3FC0] =	sst s2  }
0x8f: {  	_ = 	snop  }
0x90: {  	(tm) =	ssettm $0x1  }
0x91: {  	s17 =	sld [smem:$0x3FFB];
	_ =	sdelay $0x3  }
0x92: {  	_ =	strace s17  }
0x93: {  	s2 =	sld [smem:$0x3FFC];
	_ =	sdelay $0x3  }
0x94: {  	_ =	strace s2  }
0x95: {  	s2 =	sld [smem:$0x3FFD];
	_ =	sdelay $0x3  }
0x96: {  	_ =	strace s2  }
0x97: {  	_ =	strace $0x8FFFFFFF  }
0x98: {  	s18 =	sld [smem:$0x3FDB];
	_ =	sdelay $0x1  }
0x99: {  	s19 =	simm.s32 $_scs_section_size  }
0x9a: {  	s4 =	simm.s32 $_size__tile_overlayer_lowered;
	s5 =	simm.s32 $_tile_overlayer_lowered  }
0x9b: {  	s22 =	simm.s32 $0x1BFF;
	s21 =	sshll.u32 s5, $0x1;
	s2 =	sadd.s32 s19, s18  }
0x9c: {  	s6 =	simm.s32 $0x0;
	s20 =	sshll.u32 s4, $0x1;
	s4 =	sadd.s32 s21, s2  }
0x9d: {  	[timem:s6], [sflag:s22] =	dma.local [hbm:s4], s20  }
0x9e: {  	_ =	swait.ge [sflag:s22], s20  }
0x9f: {  	s3 =	ssub.s32 $0x0, s20;
	[sflag:s22] =	ssyncset.done $0x0  }
0xa0: {  	[sflag:s22] =	ssyncadd.s32 s3;
	_ =	sdelay $0x1  }
0xa1: {  	s23 =	simm.s32 $0x1B8B  }
0xa2: {  	_ =	swait.ge [sflag:s23], $0x1  }
0xa3: {  	[sflag:s23] =	ssyncset.done $0x0  }
0xa4: {  	s25 =	simm.s32 $0x1B8E;
	s24 =	sld [smem:$0x3FFE];
	[sflag:s23] =	ssyncadd.s32 $0xFFFFFFFF  }
0xa5: {  	s26 =	simm.s32 $execute0_lowered;
	[smem:$0x3FD2] =	sst s25  }
0xa6: {  	s4 =	sshll.u32 s26, $0x1;
	_ =	strace $0x80000049;
	[dreg:$0x1] =	wrdreg $0xFFFFFFFF  }
0xa7: {  	s28 =	simm.s32 $_size_execute0_lowered;
	s2 =	sadd.s32 s2, s4;
	[dreg:$0x0] =	wrdreg $0x0  }
0xa8: {  	s4 =	sshll.u32 s28, $0x1;
	[dreg:$0x2] =	wrdreg s2  }
0xa9: {  	[dreg:$0x3] =	wrdreg s4  }
0xaa: {  	[dreg:$0x4] =	wrdreg $0xC0  }
0xab: {  	_ =	task [dreg:s6], $0x5FFFF  }
0xac: {  	[dreg:$0x1] =	wrdreg $0xFFFFFFFF  }
0xad: {  	[dreg:$0x0] =	wrdreg $0x60  }
0xae: {  	[dreg:$0x2] =	wrdreg s24  }
0xaf: {  	[dreg:$0x3] =	wrdreg $0x57000  }
0xb0: {  	[dreg:$0x4] =	wrdreg $0x9  }
0xb1: {  	_ =	task.clear_ibuf [dreg:s6], $0x5FFFF;
	_ =	strace $0x90000049  }
0xb2: {  	s29 =	simm.s32 $0x9;
	_ =	strace $0x8000004B  }
0xb3: {  	_ =	swait.ge [sflag:s29], $0x1  }
0xb4: {  	[sflag:s29] =	ssyncadd.s32 $0xFFFFFFFF  }
0xb5: {  	_ =	strace $0x9000004B  }
0xb6: {  	_ =	sfence  }
0xb7: {  	s30 =	sld [smem:$0x0];
	_ =	sdelay $0x2  }
0xb8: {  	s31 =	sshll.u32 s1, $0xD;
	s1 =	sshrl.u32 s1, $0x2  }
0xb9: {  	s3 =	sand.u32 $0x4000, s31;
	s1 =	sadd.s32 s1, s30  }
0xba: {  	s0 =	sor.u32 s3, s0;
	s1 =	sshll.u32 s1, $0x11  }
0xbb: {  	s0 =	sor.u32 s1, s0  }
0xbc: {  	s0 =	sadd.s32 $0x8F2B, s0  }
0xbd: {  	[sflag:s0] =	ssyncadd.remote.s32 $0x1  }
0xbe: {  	_ =	sfence.sel $0xFFFF  }
0xbf: {  	[dreg:$0x0] =	wrdreg $0xFFFFFFFF;
	(pc) =	sbr.abs _section_cstart, $3  }
0xc0: {  	[dreg:$0x1] =	wrdreg $0xFFFFFFFF  }
0xc1: {  	_ =	task.clear_ibuf [dreg:s6], $0x2FFFF;
	_ =	strace $0x9FFFFFFF  }
0xc2: {  	(tm) =	ssettm $0x7FFFFFFF  }
0xc3: {  	_ =	shalt  }
tec
execute0_lowered:
.L_overlay_start_1:
0x0: {  	(tag) =	ssettag $0x1  }
0x1: {  	s7 =	rddreg [dreg:$0x0]  }
0x2: {  	s2 =	rddreg [dreg:$0x1]  }
0x3: {  	s0 =	rddreg [dreg:$0x2];
	s4 =	srdreg.scid  }
0x4: {  	s1 =	stileid.u32;
	s3 =	simm.s32 $0x0;
	s17 =	simm.s32 $0x3700  }
0x5: {  	s18 =	simm.s32 $0x1;
	s19 =	simm.s32 $0x0;
	s6 =	sand.u32 $0x1, s4  }
0x6: {  	s8 =	smul.u32 $0x9E00, s1;
	[smem:$0x7FF] =	sst s3;
	s4 =	sadd.s32 $0x28800, s7  }
0x7: {  	s10 =	sadd.s32 $0x1AC00, s7;
	s11 =	sadd.s32 $0x2A00, s7;
	s5 =	sadd.s32 $0x10600, s7  }
0x8: {  	s13 =	sshll.u32 s1, $0x1;
	s28 =	sshll.u32 s1, $0x6;
	s9 =	smul.u32 $0x9E000, s6  }
0x9: {  	_ =	strace $0x8000004A;
	s12 =	ssub.s32 $0x2, s6;
	s13 =	sor.u32 s6, s13  }
0xa: {  	p0 =	seq.s32 s6, $0x0;
	s6 =	simm.s32 $0x37;
	s14 =	sshrl.u32 s12, $0x1  }
0xb: {  	s6 =	simm.s32 @!p0 $0x18;
	s13 =	smul.u32 $0x3700, s13;
	s16 =	sadd.s32 s8, s2  }
0xc: {  	s9 =	sadd.s32 s8, s9;
	s14 =	ssub.s32 s12, s14;
	s26 =	sshll.u32 s6, $0x7  }
0xd: {  	s9 =	sshrl.u32 s9, $0x3;
	s29 =	sadd.s32 s26, s13;
	s30 =	sshrl.u32 s13, $0x3  }
0xe: {  	s13 =	smax.u32 s14, $0x1;
	s14 =	sshrl.u32 s16, $0x3;
	s16 =	simm.s32 $0x80  }
0xf: {  	s15 =	sadd.s32 s9, s7;
	s7 =	sor.u32 $0x1C02, s28;
	s31 =	sshrl.u32 s29, $0x3  }
0x10: {  	s8 =	sadd.s32 s10, s30;
	s9 =	sadd.s32 s11, s30;
	s10 =	sadd.s32 s10, s31  }
0x11: {  	s11 =	sadd.s32 s11, s31;
	s12 =	sadd.s32 $0x3C200, s15;
	s15 =	simm.s32 $0x2  }
.LBB2_1:
0x12: {  	[spmem:s14], [sflag:s7] =	dma.local [hbm:s5], $0x13C0  }
0x13: {  	_ =	swait.ge [sflag:s15], $0x13C0  }
0x14: {  	[sflag:s15] =	ssyncset.done $0x0  }
0x15: {  	[sflag:s15] =	ssyncadd.s32 $0xFFFFEC40  }
0x16: {  	[bflag:$0x0] =	sbarrier.arrive $0xFFFF  }
0x17: {  	[tilespmem:s3], [sflag:$0x2] =	stream.linear.gather [hbm4b:s8+s3], $0x1B80, $0x38;
	[tilespmem:$0xF500] =	vst v63  }
0x18: {  	_ =	swait.ge [sflag:s15], $0x1B80  }
0x19: {  	[sflag:s15] =	ssyncset.done $0x0  }
0x1a: {  	s20 =	simm.s32 $0x1B80;
	[sflag:s15] =	ssyncadd.s32 $0xFFFFE480  }
0x1b: {  	[tilespmem:s20], [sflag:$0x2] =	stream.linear.gather [hbm4b:s9+s3], $0x1B80, $0x38;
	[tilespmem:$0xF500] =	vst v63  }
0x1c: {  	_ =	swait.ge [sflag:s15], $0x1B80  }
0x1d: {  	[sflag:s15] =	ssyncset.done $0x0  }
0x1e: {  	[sflag:s15] =	ssyncadd.s32 $0xFFFFE480  }
0x1f: {  	[tilespmem:s17], [sflag:$0x1] =	stream.indirect.gather [hbm4b:s4+s16], $0x40, s3, s16, $0xb8;
	[tilespmem:$0xF500] =	vst v63  }
0x20: {  	p0 =	sne.s32 s6, $0x1;
	_ =	swait.ge [sflag:s18], $0x2000  }
.Ltmp0:
0x21: {  	[sflag:s18] =	ssyncset.done $0x0;
	(pc) =	sbr.rel @!p0 .LBB2_3-.Ltmp0, $4  }
0x22: {  	[sflag:s18] =	ssyncadd.s32 $0xFFFFE000  }
0x23: {  	[spmem:s2] =	stream.indirect.scatter.add.f32 [tilespmem:s17], [sflag:$0x2], $0x40, s20, s16, $0xb8;
	[tilespmem:$0xF500] =	vst v63  }
0x24: {  	s21 =	sadd.s32 $0xFFFFFFFF, s6;
	_ =	swait.ge [sflag:s15], $0x2000  }
0x25: {  	s22 =	simm.s32 $0x0;
	s23 =	simm.s32 $0x1B80;
	[sflag:s15] =	ssyncset.done $0x0  }
.LBB2_2:
0x26: {  	[sflag:s15] =	ssyncadd.s32 $0xFFFFE000;
	s22 =	sadd.s32 $0x80, s22;
	s23 =	sadd.s32 $0x80, s23  }
0x27: {  	[tilespmem:s17], [sflag:$0x1] =	stream.indirect.gather [hbm4b:s4+s16], $0x40, s22, s16, $0xb8;
	[tilespmem:$0xF500] =	vst v63  }
0x28: {  	p1 =	sne.s32 s21, $0x1;
	s21 =	sadd.s32 $0xFFFFFFFF, s21;
	_ =	swait.ge [sflag:s18], $0x2000  }
.Ltmp1:
0x29: {  	[sflag:s18] =	ssyncset.done $0x0;
	(pc) =	sbr.rel @p1 .LBB2_2-.Ltmp1, $4  }
0x2a: {  	[sflag:s18] =	ssyncadd.s32 $0xFFFFE000  }
0x2b: {  	[spmem:s2] =	stream.indirect.scatter.add.f32 [tilespmem:s17], [sflag:$0x2], $0x40, s23, s16, $0xb8;
	[tilespmem:$0xF500] =	vst v63  }
0x2c: {  	_ =	swait.ge [sflag:s15], $0x2000  }
0x2d: {  	[sflag:s15] =	ssyncset.done $0x0  }
.LBB2_3:
0x2e: {  	[sflag:s15] =	ssyncadd.s32 $0xFFFFE000;
	s21 =	simm.s32 $0x0  }
0x2f: {  	[tilespmem:s21], [sflag:$0x2] =	stream.linear.gather [hbm4b:s10+s21], $0x1B80, $0x38;
	[tilespmem:$0xF500] =	vst v63  }
0x30: {  	_ =	swait.ge [sflag:s15], $0x1B80  }
0x31: {  	[sflag:s15] =	ssyncset.done $0x0  }
0x32: {  	[sflag:s15] =	ssyncadd.s32 $0xFFFFE480  }
0x33: {  	[tilespmem:s20], [sflag:$0x2] =	stream.linear.gather [hbm4b:s11+s21], $0x1B80, $0x38;
	[tilespmem:$0xF500] =	vst v63  }
0x34: {  	_ =	swait.ge [sflag:s15], $0x1B80  }
0x35: {  	[sflag:s15] =	ssyncset.done $0x0  }
0x36: {  	[sflag:s15] =	ssyncadd.s32 $0xFFFFE480  }
0x37: {  	[tilespmem:s17], [sflag:$0x1] =	stream.indirect.gather [hbm4b:s4+s16], $0x40, s21, s16, $0xb8;
	[tilespmem:$0xF500] =	vst v63  }
0x38: {  	_ =	swait.ge [sflag:s18], $0x2000  }
.Ltmp2:
0x39: {  	[sflag:s18] =	ssyncset.done $0x0;
	(pc) =	sbr.rel @!p0 .LBB2_5-.Ltmp2, $4  }
0x3a: {  	[sflag:s18] =	ssyncadd.s32 $0xFFFFE000  }
0x3b: {  	[spmem:s2] =	stream.indirect.scatter.add.f32 [tilespmem:s17], [sflag:$0x2], $0x40, s20, s16, $0xb8;
	[tilespmem:$0xF500] =	vst v63  }
0x3c: {  	_ =	swait.ge [sflag:s15], $0x2000  }
0x3d: {  	s22 =	sadd.s32 $0xFFFFFFFF, s6;
	[sflag:s15] =	ssyncset.done $0x0  }
.LBB2_4:
0x3e: {  	[sflag:s15] =	ssyncadd.s32 $0xFFFFE000;
	s21 =	sadd.s32 $0x80, s21;
	s20 =	sadd.s32 $0x80, s20  }
0x3f: {  	[tilespmem:s17], [sflag:$0x1] =	stream.indirect.gather [hbm4b:s4+s16], $0x40, s21, s16, $0xb8;
	[tilespmem:$0xF500] =	vst v63  }
0x40: {  	p0 =	sne.s32 s22, $0x1;
	s22 =	sadd.s32 $0xFFFFFFFF, s22;
	_ =	swait.ge [sflag:s18], $0x2000  }
.Ltmp3:
0x41: {  	[sflag:s18] =	ssyncset.done $0x0;
	(pc) =	sbr.rel @p0 .LBB2_4-.Ltmp3, $4  }
0x42: {  	[sflag:s18] =	ssyncadd.s32 $0xFFFFE000  }
0x43: {  	[spmem:s2] =	stream.indirect.scatter.add.f32 [tilespmem:s17], [sflag:$0x2], $0x40, s20, s16, $0xb8;
	[tilespmem:$0xF500] =	vst v63  }
0x44: {  	_ =	swait.ge [sflag:s15], $0x2000  }
0x45: {  	[sflag:s15] =	ssyncset.done $0x0  }
.LBB2_5:
0x46: {  	s19 =	sadd.s32 $0x1, s19  }
0x47: {  	[sflag:s15] =	ssyncadd.s32 $0xFFFFE000;
	p0 =	sne.s32 s19, s13  }
.Ltmp4:
0x48: {  	[bflag:$0x0] =	sbarrier.arrive $0xFFFF;
	(pc) =	sbr.rel @p0 .LBB2_1-.Ltmp4, $4  }
0x49: {  	[hbm:s12], [sflag:s7] =	dma.local [spmem:s14], $0x13C0  }
0x4a: {  	_ =	swait.ge [sflag:s15], $0x13C0  }
0x4b: {  	[sflag:s15] =	ssyncset.done $0x0  }
0x4c: {  	[sflag:s15] =	ssyncadd.s32 $0xFFFFEC40  }
0x4d: {  	_ =	sfence.sel $0x180000  }
0x4e: {  	[bflag:$0x0] =	sbarrier.arrive $0xFFFF  }
0x4f: {  	p0 =	sne.s32 s1, $0x0;
	_ =	strace $0x9000004A  }
0x50: {  	s0 =	sadd.s32 @!p0 $0x100000, s0;
	[bflag:$0x2] =	sbarrier.arrive $0xFFFF  }
0x51: {  	[sflag:s0] =	ssyncadd.tile.s32 @!p0 $0x1;
	_ =	shalt  }
.Lfunc_end2:
_tile_overlayer_lowered:
.L_overlay_start_2:
0x52: {  	(tag) =	ssettag $0x2  }
0x53: {  	s0 =	rddreg [dreg:$0x0];
	s2 =	stileid.u32  }
0x54: {  	s1 =	rddreg [dreg:$0x1];
	p0 =	sne.s32 s2, $0x0  }
0x55: {  	s3 =	rddreg [dreg:$0x2];
	[bflag:$0x3] =	sbarrier.arrive $0xFFFF;
	s2 =	simm.s32 @!p0 $0x1C02  }
0x56: {  	[timem:s3], [sflag:s2] =	dma.local @!p0 [hbm:s0], s1  }
0x57: {  	s0 =	simm.s32 @!p0 $0x2  }
0x58: {  	_ =	swait.ge @!p0 [sflag:s0], s1  }
0x59: {  	s1 =	ssub.s32 @!p0 $0x0, s1;
	[sflag:s0] =	ssyncset.done @!p0 $0x0  }
0x5a: {  	[sflag:s0] =	ssyncadd.s32 @!p0 s1  }
0x5b: {  	[bflag:$0x3] =	sbarrier.arrive $0xFFFF  }
0x5c: {  	_ =	shalt  }

// kernel: kernel.14.cloned.1.call-start
scs
__scs_entry_jumppad:
0x0: {  	(pc) =	sbr.rel $0x88, $3  }
0x1: {  	(tag) =	ssettag $0x0;
	lr =	simm.s32 $0x1  }
0x2: {  	[smem:$0x3F99] =	sst lr;
	_ =	strace $0xD0000000  }
0x3: {  	_ = 	snop  }
0x4: {  	_ = 	snop  }
0x5: {  	_ = 	snop  }
0x6: {  	_ = 	snop  }
0x7: {  	_ = 	snop  }
__scs_overlays_trampoline_lowered:
0x8: {  	[smem:$0x3FA8] =	sst s0  }
0x9: {  	[smem:$0x3FA9] =	sst s1  }
0xa: {  	[smem:$0x3FAA] =	sst s2  }
0xb: {  	[smem:$0x3FAB] =	sst s3  }
0xc: {  	[smem:$0x3FAC] =	sst s4  }
0xd: {  	[smem:$0x3FAD] =	sst s5  }
0xe: {  	[smem:$0x3FAE] =	sst s6  }
0xf: {  	[smem:$0x3FAF] =	sst s7  }
0x10: {  	[smem:$0x3FB0] =	sst s8  }
0x11: {  	[smem:$0x3FB1] =	sst s9;
	s0 =	simm.s32 @!p0 $0x0  }
0x12: {  	s1 =	sld [smem:$0x3F97];
	s0 =	simm.s32 @p0 $0x1  }
0x13: {  	[smem:$0x3FB2] =	sst s0;
	s0 =	simm.s32 @!p1 $0x0  }
0x14: {  	s2 =	sld [smem:$0x3F96];
	s0 =	simm.s32 @p1 $0x1  }
0x15: {  	[smem:$0x3FB3] =	sst s0;
	s0 =	simm.s32 @!p2 $0x0  }
0x16: {  	s3 =	sld [smem:$0x3FDB];
	s0 =	simm.s32 @p2 $0x1  }
0x17: {  	s4 =	simm.s32 $0x1BF5;
	[smem:$0x3FB5] =	sst s0  }
0x18: {  	s0 =	sld [smem:$0x3F98];
	_ =	swait.ge [sflag:s4], $0x0  }
0x19: {  	s7 =	sld [smem:$0x3F99]  }
0x1a: {  	s8 =	sadd.s32 $0xFFFFE003, lr  }
0x1b: {  	s9 =	sadd.s32 $0xFFFFFEF7, lr;
	s5 =	simm.s32 $0xFFFFFFFF;
	p2 =	slt.u32 s8, $0xFFFFF086  }
0x1c: {  	p1 =	slt.u32 s9, $0xF7A;
	s5 =	simm.s32 @!p2 $0x0  }
0x1d: {  	s5 =	simm.s32 @p1 $0x1;
	p0 =	seq.s32 s7, s2  }
0x1e: {  	s7 =	smul.u32 @!p0 $0xF7A, s2;
	p2 =	seq.s32 @!p0 s5, $0x0  }
0x1f: {  	s9 =	smul.u32 $0xF7A, s1;
	s8 =	simm.s32 @!p0 $0x1BF5;
	p2 =	por !p2, p0  }
0x20: {  	[sflag:s8] =	ssyncset.s32 @!p0 $0xFFFFF086;
	s6 =	sadd.s32 @!p0 s3, s7;
	s7 =	simm.s32 @!p0 $0x108  }
0x21: {  	s3 =	sadd.s32 s3, s9;
	s6 =	sadd.s32 @!p0 $0x88, s6;
	s7 =	simm.s32 @p2 $0x1082  }
0x22: {  	[simem:s7], [sflag:s8] =	dma.local @!p0 [hbm:s6], $0xF7A  }
0x23: {  	s9 =	sor.u32 $0xD0000000, s2;
	s6 =	simm.s32 $0x108;
	_ =	swait.ge @!p0 [sflag:s8], $0x0  }
0x24: {  	s3 =	sadd.s32 $0x88, s3;
	s6 =	simm.s32 @!p1 $0x1082;
	[sflag:s4] =	ssyncset.s32 $0xFFFFF086  }
0x25: {  	[simem:s6], [sflag:s4] =	dma.local [hbm:s3], $0xF7A  }
0x26: {  	[smem:$0x3F99] =	sst s1;
	(tag) =	ssettag s2;
	_ =	strace s9  }
0x27: {  	s1 =	sld [smem:$0x3FA9]  }
0x28: {  	s2 =	sld [smem:$0x3FAA]  }
0x29: {  	s4 =	sld [smem:$0x3FAC]  }
0x2a: {  	p0 =	seq.s32 s5, $0x0;
	s5 =	sld [smem:$0x3FAD]  }
0x2b: {  	s6 =	sld [smem:$0x3FAE]  }
0x2c: {  	s7 =	sld [smem:$0x3FAF]  }
0x2d: {  	s3 =	simm.s32 $0x108;
	s8 =	sld [smem:$0x3FB0]  }
0x2e: {  	s3 =	simm.s32 @!p0 $0x1082;
	s9 =	sld [smem:$0x3FB1]  }
0x2f: {  	lr =	sadd.s32 s0, s3;
	s0 =	sld [smem:$0x3FA8]  }
0x30: {  	s3 =	sld [smem:$0x3FAB]  }
0x31: {  	[smem:$0x3FB4] =	sst s10  }
0x32: {  	s10 =	sld [smem:$0x3FB2];
	_ =	sdelay $0x3  }
0x33: {  	p0 =	seq.s32 s10, $0x1;
	s10 =	sld [smem:$0x3FB4];
	_ =	sdelay $0x3  }
0x34: {  	[smem:$0x3FB4] =	sst s10  }
0x35: {  	s10 =	sld [smem:$0x3FB3];
	_ =	sdelay $0x3  }
0x36: {  	p1 =	seq.s32 s10, $0x1;
	s10 =	sld [smem:$0x3FB4];
	_ =	sdelay $0x3  }
0x37: {  	[smem:$0x3FB4] =	sst s10  }
0x38: {  	s10 =	sld [smem:$0x3FB5]  }
0x39: {  	_ = 	snop;
	(pc) =	sbr.ind lr, $3  }
0x3a: {  	_ = 	snop  }
0x3b: {  	_ = 	snop  }
0x3c: {  	p2 =	seq.s32 s10, $0x1;
	s10 =	sld [smem:$0x3FB4]  }
0x3d: {  	_ =	shalt  }
0x3e: {  	_ =	shalt  }
0x3f: {  	_ =	shalt  }
0x40: {  	_ =	shalt  }
0x41: {  	_ =	shalt  }
0x42: {  	_ =	shalt  }
0x43: {  	_ =	shalt  }
0x44: {  	_ =	shalt  }
0x45: {  	_ =	shalt  }
0x46: {  	_ =	shalt  }
0x47: {  	_ =	shalt  }
0x48: {  	_ =	shalt  }
0x49: {  	_ =	shalt  }
0x4a: {  	_ =	shalt  }
0x4b: {  	_ =	shalt  }
0x4c: {  	_ =	shalt  }
0x4d: {  	_ =	shalt  }
0x4e: {  	_ =	shalt  }
0x4f: {  	_ =	shalt  }
0x50: {  	_ =	shalt  }
0x51: {  	_ =	shalt  }
0x52: {  	_ =	shalt  }
0x53: {  	_ =	shalt  }
0x54: {  	_ =	shalt  }
0x55: {  	_ =	shalt  }
0x56: {  	_ =	shalt  }
0x57: {  	_ =	shalt  }
0x58: {  	_ =	shalt  }
0x59: {  	_ =	shalt  }
0x5a: {  	_ =	shalt  }
0x5b: {  	_ =	shalt  }
0x5c: {  	_ =	shalt  }
0x5d: {  	_ =	shalt  }
0x5e: {  	_ =	shalt  }
0x5f: {  	_ =	shalt  }
0x60: {  	_ =	shalt  }
0x61: {  	_ =	shalt  }
0x62: {  	_ =	shalt  }
0x63: {  	_ =	shalt  }
0x64: {  	_ =	shalt  }
0x65: {  	_ =	shalt  }
0x66: {  	_ =	shalt  }
0x67: {  	_ =	shalt  }
0x68: {  	_ =	shalt  }
0x69: {  	_ =	shalt  }
0x6a: {  	_ =	shalt  }
0x6b: {  	_ =	shalt  }
0x6c: {  	_ =	shalt  }
0x6d: {  	_ =	shalt  }
0x6e: {  	_ =	shalt  }
0x6f: {  	_ =	shalt  }
0x70: {  	_ =	shalt  }
0x71: {  	_ =	shalt  }
0x72: {  	_ =	shalt  }
0x73: {  	_ =	shalt  }
0x74: {  	_ =	shalt  }
0x75: {  	_ =	shalt  }
0x76: {  	_ =	shalt  }
0x77: {  	_ =	shalt  }
0x78: {  	_ =	shalt  }
0x79: {  	_ =	shalt  }
0x7a: {  	_ =	shalt  }
0x7b: {  	_ =	shalt  }
0x7c: {  	_ =	shalt  }
0x7d: {  	_ =	shalt  }
0x7e: {  	_ =	shalt  }
0x7f: {  	_ =	shalt  }
0x80: {  	_ =	shalt  }
0x81: {  	_ =	shalt  }
0x82: {  	_ =	shalt  }
0x83: {  	_ =	shalt  }
0x84: {  	_ =	shalt  }
0x85: {  	_ =	shalt  }
0x86: {  	_ =	shalt  }
0x87: {  	_ =	shalt  }
.Lfunc_end0:
.L_simem_size_0:
called_computation.2_lowered:
.L_overlay_start_0:
0x88: {  	s2 =	sld [smem:$0x3FD9]  }
0x89: {  	s3 =	sld [smem:$0x3FFE];
	_ =	sdelay $0x1  }
0x8a: {  	s1 =	srdreg.scid  }
0x8b: {  	s0 =	sand.u32 $0x1, s1  }
0x8c: {  	s16 =	sshll.u32 s0, $0xA;
	s2 =	sadd.s32 s3, s2  }
0x8d: {  	s2 =	sadd.s32 s2, s16  }
0x8e: {  	[smem:$0x3FC0] =	sst s2  }
0x8f: {  	_ = 	snop  }
0x90: {  	(tm) =	ssettm $0x1  }
0x91: {  	s17 =	sld [smem:$0x3FFB];
	_ =	sdelay $0x3  }
0x92: {  	_ =	strace s17  }
0x93: {  	s2 =	sld [smem:$0x3FFC];
	_ =	sdelay $0x3  }
0x94: {  	_ =	strace s2  }
0x95: {  	s2 =	sld [smem:$0x3FFD];
	_ =	sdelay $0x3  }
0x96: {  	_ =	strace s2  }
0x97: {  	_ =	strace $0x8FFFFFFF  }
0x98: {  	s18 =	sld [smem:$0x3FDB];
	_ =	sdelay $0x1  }
0x99: {  	s19 =	simm.s32 $_scs_section_size  }
0x9a: {  	s4 =	simm.s32 $_size__tile_overlayer_lowered;
	s5 =	simm.s32 $_tile_overlayer_lowered  }
0x9b: {  	s22 =	simm.s32 $0x1BFF;
	s21 =	sshll.u32 s5, $0x1;
	s2 =	sadd.s32 s19, s18  }
0x9c: {  	s6 =	simm.s32 $0x0;
	s20 =	sshll.u32 s4, $0x1;
	s4 =	sadd.s32 s21, s2  }
0x9d: {  	[timem:s6], [sflag:s22] =	dma.local [hbm:s4], s20  }
0x9e: {  	_ =	swait.ge [sflag:s22], s20  }
0x9f: {  	s3 =	ssub.s32 $0x0, s20;
	[sflag:s22] =	ssyncset.done $0x0  }
0xa0: {  	[sflag:s22] =	ssyncadd.s32 s3;
	_ =	sdelay $0x1  }
0xa1: {  	s23 =	simm.s32 $0x1B8B  }
0xa2: {  	_ =	swait.ge [sflag:s23], $0x1  }
0xa3: {  	[sflag:s23] =	ssyncset.done $0x0  }
0xa4: {  	s25 =	simm.s32 $0x1B8E;
	s24 =	sld [smem:$0x3FFE];
	[sflag:s23] =	ssyncadd.s32 $0xFFFFFFFF  }
0xa5: {  	s26 =	simm.s32 $execute0_lowered;
	[smem:$0x3FD2] =	sst s25  }
0xa6: {  	s4 =	sshll.u32 s26, $0x1;
	_ =	strace $0x8000004C;
	[dreg:$0x1] =	wrdreg $0xFFFFFFFF  }
0xa7: {  	s28 =	simm.s32 $_size_execute0_lowered;
	s2 =	sadd.s32 s2, s4;
	[dreg:$0x0] =	wrdreg $0x0  }
0xa8: {  	s4 =	sshll.u32 s28, $0x1;
	[dreg:$0x2] =	wrdreg s2  }
0xa9: {  	[dreg:$0x3] =	wrdreg s4  }
0xaa: {  	[dreg:$0x4] =	wrdreg $0xC0  }
0xab: {  	_ =	task [dreg:s6], $0x5FFFF  }
0xac: {  	[dreg:$0x1] =	wrdreg $0xFFFFFFFF  }
0xad: {  	[dreg:$0x0] =	wrdreg $0x60  }
0xae: {  	[dreg:$0x2] =	wrdreg s24  }
0xaf: {  	[dreg:$0x3] =	wrdreg $0x77000  }
0xb0: {  	[dreg:$0x4] =	wrdreg $0x9  }
0xb1: {  	_ =	task.clear_ibuf [dreg:s6], $0x5FFFF;
	_ =	strace $0x9000004C  }
0xb2: {  	s29 =	simm.s32 $0x9;
	_ =	strace $0x8000004E  }
0xb3: {  	_ =	swait.ge [sflag:s29], $0x1  }
0xb4: {  	[sflag:s29] =	ssyncadd.s32 $0xFFFFFFFF  }
0xb5: {  	_ =	strace $0x9000004E  }
0xb6: {  	_ =	sfence  }
0xb7: {  	s30 =	sld [smem:$0x0];
	_ =	sdelay $0x2  }
0xb8: {  	s31 =	sshll.u32 s1, $0xD;
	s1 =	sshrl.u32 s1, $0x2  }
0xb9: {  	s3 =	sand.u32 $0x4000, s31;
	s1 =	sadd.s32 s1, s30  }
0xba: {  	s0 =	sor.u32 s3, s0;
	s1 =	sshll.u32 s1, $0x11  }
0xbb: {  	s0 =	sor.u32 s1, s0  }
0xbc: {  	s0 =	sadd.s32 $0x8F2B, s0  }
0xbd: {  	[sflag:s0] =	ssyncadd.remote.s32 $0x1  }
0xbe: {  	_ =	sfence.sel $0xFFFF  }
0xbf: {  	[dreg:$0x0] =	wrdreg $0xFFFFFFFF;
	(pc) =	sbr.abs _section_cstart, $3  }
0xc0: {  	[dreg:$0x1] =	wrdreg $0xFFFFFFFF  }
0xc1: {  	_ =	task.clear_ibuf [dreg:s6], $0x2FFFF;
	_ =	strace $0x9FFFFFFF  }
0xc2: {  	(tm) =	ssettm $0x7FFFFFFF  }
0xc3: {  	_ =	shalt  }
tec
execute0_lowered:
.L_overlay_start_1:
0x0: {  	(tag) =	ssettag $0x1  }
0x1: {  	s7 =	rddreg [dreg:$0x0]  }
0x2: {  	s2 =	rddreg [dreg:$0x1]  }
0x3: {  	s0 =	rddreg [dreg:$0x2];
	s4 =	srdreg.scid  }
0x4: {  	s1 =	stileid.u32;
	s3 =	simm.s32 $0x0;
	s17 =	simm.s32 $0x3700  }
0x5: {  	s18 =	simm.s32 $0x1;
	s19 =	simm.s32 $0x0;
	s6 =	sand.u32 $0x1, s4  }
0x6: {  	s8 =	smul.u32 $0x13C00, s1;
	[smem:$0x7FF] =	sst s3;
	s4 =	sadd.s32 $0x28800, s7  }
0x7: {  	s10 =	sadd.s32 $0x1AC00, s7;
	s11 =	sadd.s32 $0x2A00, s7;
	s5 =	sadd.s32 $0x10600, s7  }
0x8: {  	s13 =	sshll.u32 s1, $0x1;
	s28 =	sshll.u32 s1, $0x6;
	s9 =	smul.u32 $0x13C000, s6  }
0x9: {  	_ =	strace $0x8000004D;
	s12 =	ssub.s32 $0x2, s6;
	s13 =	sor.u32 s6, s13  }
0xa: {  	p0 =	seq.s32 s6, $0x0;
	s6 =	simm.s32 $0x37;
	s14 =	sshrl.u32 s12, $0x1  }
0xb: {  	s6 =	simm.s32 @!p0 $0x18;
	s13 =	smul.u32 $0x3700, s13;
	s16 =	sadd.s32 s8, s2  }
0xc: {  	s9 =	sadd.s32 s8, s9;
	s14 =	ssub.s32 s12, s14;
	s26 =	sshll.u32 s6, $0x7  }
0xd: {  	s9 =	sshrl.u32 s9, $0x3;
	s29 =	sadd.s32 s26, s13;
	s30 =	sshrl.u32 s13, $0x3  }
0xe: {  	s13 =	smax.u32 s14, $0x1;
	s14 =	sshrl.u32 s16, $0x3;
	s16 =	simm.s32 $0x80  }
0xf: {  	s15 =	sadd.s32 s9, s7;
	s7 =	sor.u32 $0x1C02, s28;
	s31 =	sshrl.u32 s29, $0x3  }
0x10: {  	s8 =	sadd.s32 s10, s30;
	s9 =	sadd.s32 s11, s30;
	s10 =	sadd.s32 s10, s31  }
0x11: {  	s11 =	sadd.s32 s11, s31;
	s12 =	sadd.s32 $0x4FA00, s15;
	s15 =	simm.s32 $0x2  }
.LBB2_1:
0x12: {  	[spmem:s14], [sflag:s7] =	dma.local [hbm:s5], $0x2780  }
0x13: {  	_ =	swait.ge [sflag:s15], $0x2780  }
0x14: {  	[sflag:s15] =	ssyncset.done $0x0  }
0x15: {  	[sflag:s15] =	ssyncadd.s32 $0xFFFFD880  }
0x16: {  	[bflag:$0x0] =	sbarrier.arrive $0xFFFF  }
0x17: {  	[tilespmem:s3], [sflag:$0x2] =	stream.linear.gather [hbm4b:s8+s3], $0x1B80, $0x38;
	[tilespmem:$0x1B300] =	vst v63  }
0x18: {  	_ =	swait.ge [sflag:s15], $0x1B80  }
0x19: {  	[sflag:s15] =	ssyncset.done $0x0  }
0x1a: {  	s20 =	simm.s32 $0x1B80;
	[sflag:s15] =	ssyncadd.s32 $0xFFFFE480  }
0x1b: {  	[tilespmem:s20], [sflag:$0x2] =	stream.linear.gather [hbm4b:s9+s3], $0x1B80, $0x38;
	[tilespmem:$0x1B300] =	vst v63  }
0x1c: {  	_ =	swait.ge [sflag:s15], $0x1B80  }
0x1d: {  	[sflag:s15] =	ssyncset.done $0x0  }
0x1e: {  	[sflag:s15] =	ssyncadd.s32 $0xFFFFE480  }
0x1f: {  	[tilespmem:s17], [sflag:$0x1] =	stream.indirect.gather [hbm4b:s4+s16], $0x80, s3, s16, $0xb8;
	[tilespmem:$0x1B300] =	vst v63  }
0x20: {  	p0 =	sne.s32 s6, $0x1;
	_ =	swait.ge [sflag:s18], $0x4000  }
.Ltmp0:
0x21: {  	[sflag:s18] =	ssyncset.done $0x0;
	(pc) =	sbr.rel @!p0 .LBB2_3-.Ltmp0, $4  }
0x22: {  	[sflag:s18] =	ssyncadd.s32 $0xFFFFC000  }
0x23: {  	[spmem:s2] =	stream.indirect.scatter.add.f32 [tilespmem:s17], [sflag:$0x2], $0x80, s20, s16, $0xb8;
	[tilespmem:$0x1B300] =	vst v63  }
0x24: {  	s21 =	sadd.s32 $0xFFFFFFFF, s6;
	_ =	swait.ge [sflag:s15], $0x4000  }
0x25: {  	s22 =	simm.s32 $0x0;
	s23 =	simm.s32 $0x1B80;
	[sflag:s15] =	ssyncset.done $0x0  }
.LBB2_2:
0x26: {  	[sflag:s15] =	ssyncadd.s32 $0xFFFFC000;
	s22 =	sadd.s32 $0x80, s22;
	s23 =	sadd.s32 $0x80, s23  }
0x27: {  	[tilespmem:s17], [sflag:$0x1] =	stream.indirect.gather [hbm4b:s4+s16], $0x80, s22, s16, $0xb8;
	[tilespmem:$0x1B300] =	vst v63  }
0x28: {  	p1 =	sne.s32 s21, $0x1;
	s21 =	sadd.s32 $0xFFFFFFFF, s21;
	_ =	swait.ge [sflag:s18], $0x4000  }
.Ltmp1:
0x29: {  	[sflag:s18] =	ssyncset.done $0x0;
	(pc) =	sbr.rel @p1 .LBB2_2-.Ltmp1, $4  }
0x2a: {  	[sflag:s18] =	ssyncadd.s32 $0xFFFFC000  }
0x2b: {  	[spmem:s2] =	stream.indirect.scatter.add.f32 [tilespmem:s17], [sflag:$0x2], $0x80, s23, s16, $0xb8;
	[tilespmem:$0x1B300] =	vst v63  }
0x2c: {  	_ =	swait.ge [sflag:s15], $0x4000  }
0x2d: {  	[sflag:s15] =	ssyncset.done $0x0  }
.LBB2_3:
0x2e: {  	[sflag:s15] =	ssyncadd.s32 $0xFFFFC000;
	s21 =	simm.s32 $0x0  }
0x2f: {  	[tilespmem:s21], [sflag:$0x2] =	stream.linear.gather [hbm4b:s10+s21], $0x1B80, $0x38;
	[tilespmem:$0x1B300] =	vst v63  }
0x30: {  	_ =	swait.ge [sflag:s15], $0x1B80  }
0x31: {  	[sflag:s15] =	ssyncset.done $0x0  }
0x32: {  	[sflag:s15] =	ssyncadd.s32 $0xFFFFE480  }
0x33: {  	[tilespmem:s20], [sflag:$0x2] =	stream.linear.gather [hbm4b:s11+s21], $0x1B80, $0x38;
	[tilespmem:$0x1B300] =	vst v63  }
0x34: {  	_ =	swait.ge [sflag:s15], $0x1B80  }
0x35: {  	[sflag:s15] =	ssyncset.done $0x0  }
0x36: {  	[sflag:s15] =	ssyncadd.s32 $0xFFFFE480  }
0x37: {  	[tilespmem:s17], [sflag:$0x1] =	stream.indirect.gather [hbm4b:s4+s16], $0x80, s21, s16, $0xb8;
	[tilespmem:$0x1B300] =	vst v63  }
0x38: {  	_ =	swait.ge [sflag:s18], $0x4000  }
.Ltmp2:
0x39: {  	[sflag:s18] =	ssyncset.done $0x0;
	(pc) =	sbr.rel @!p0 .LBB2_5-.Ltmp2, $4  }
0x3a: {  	[sflag:s18] =	ssyncadd.s32 $0xFFFFC000  }
0x3b: {  	[spmem:s2] =	stream.indirect.scatter.add.f32 [tilespmem:s17], [sflag:$0x2], $0x80, s20, s16, $0xb8;
	[tilespmem:$0x1B300] =	vst v63  }
0x3c: {  	_ =	swait.ge [sflag:s15], $0x4000  }
0x3d: {  	s22 =	sadd.s32 $0xFFFFFFFF, s6;
	[sflag:s15] =	ssyncset.done $0x0  }
.LBB2_4:
0x3e: {  	[sflag:s15] =	ssyncadd.s32 $0xFFFFC000;
	s21 =	sadd.s32 $0x80, s21;
	s20 =	sadd.s32 $0x80, s20  }
0x3f: {  	[tilespmem:s17], [sflag:$0x1] =	stream.indirect.gather [hbm4b:s4+s16], $0x80, s21, s16, $0xb8;
	[tilespmem:$0x1B300] =	vst v63  }
0x40: {  	p0 =	sne.s32 s22, $0x1;
	s22 =	sadd.s32 $0xFFFFFFFF, s22;
	_ =	swait.ge [sflag:s18], $0x4000  }
.Ltmp3:
0x41: {  	[sflag:s18] =	ssyncset.done $0x0;
	(pc) =	sbr.rel @p0 .LBB2_4-.Ltmp3, $4  }
0x42: {  	[sflag:s18] =	ssyncadd.s32 $0xFFFFC000  }
0x43: {  	[spmem:s2] =	stream.indirect.scatter.add.f32 [tilespmem:s17], [sflag:$0x2], $0x80, s20, s16, $0xb8;
	[tilespmem:$0x1B300] =	vst v63  }
0x44: {  	_ =	swait.ge [sflag:s15], $0x4000  }
0x45: {  	[sflag:s15] =	ssyncset.done $0x0  }
.LBB2_5:
0x46: {  	s19 =	sadd.s32 $0x1, s19  }
0x47: {  	[sflag:s15] =	ssyncadd.s32 $0xFFFFC000;
	p0 =	sne.s32 s19, s13  }
.Ltmp4:
0x48: {  	[bflag:$0x0] =	sbarrier.arrive $0xFFFF;
	(pc) =	sbr.rel @p0 .LBB2_1-.Ltmp4, $4  }
0x49: {  	[hbm:s12], [sflag:s7] =	dma.local [spmem:s14], $0x2780  }
0x4a: {  	_ =	swait.ge [sflag:s15], $0x2780  }
0x4b: {  	[sflag:s15] =	ssyncset.done $0x0  }
0x4c: {  	[sflag:s15] =	ssyncadd.s32 $0xFFFFD880  }
0x4d: {  	_ =	sfence.sel $0x180000  }
0x4e: {  	[bflag:$0x0] =	sbarrier.arrive $0xFFFF  }
0x4f: {  	p0 =	sne.s32 s1, $0x0;
	_ =	strace $0x9000004D  }
0x50: {  	s0 =	sadd.s32 @!p0 $0x100000, s0;
	[bflag:$0x2] =	sbarrier.arrive $0xFFFF  }
0x51: {  	[sflag:s0] =	ssyncadd.tile.s32 @!p0 $0x1;
	_ =	shalt  }
.Lfunc_end2:
_tile_overlayer_lowered:
.L_overlay_start_2:
0x52: {  	(tag) =	ssettag $0x2  }
0x53: {  	s0 =	rddreg [dreg:$0x0];
	s2 =	stileid.u32  }
0x54: {  	s1 =	rddreg [dreg:$0x1];
	p0 =	sne.s32 s2, $0x0  }
0x55: {  	s3 =	rddreg [dreg:$0x2];
	[bflag:$0x3] =	sbarrier.arrive $0xFFFF;
	s2 =	simm.s32 @!p0 $0x1C02  }
0x56: {  	[timem:s3], [sflag:s2] =	dma.local @!p0 [hbm:s0], s1  }
0x57: {  	s0 =	simm.s32 @!p0 $0x2  }
0x58: {  	_ =	swait.ge @!p0 [sflag:s0], s1  }
0x59: {  	s1 =	ssub.s32 @!p0 $0x0, s1;
	[sflag:s0] =	ssyncset.done @!p0 $0x0  }
0x5a: {  	[sflag:s0] =	ssyncadd.s32 @!p0 s1  }
0x5b: {  	[bflag:$0x3] =	sbarrier.arrive $0xFFFF  }
0x5c: {  	_ =	shalt  }

// kernel: kernel.8.cloned.1.call-start
scs
__scs_entry_jumppad:
0x0: {  	(pc) =	sbr.rel $0x88, $3  }
0x1: {  	(tag) =	ssettag $0x0;
	lr =	simm.s32 $0x1  }
0x2: {  	[smem:$0x3F99] =	sst lr;
	_ =	strace $0xD0000000  }
0x3: {  	_ = 	snop  }
0x4: {  	_ = 	snop  }
0x5: {  	_ = 	snop  }
0x6: {  	_ = 	snop  }
0x7: {  	_ = 	snop  }
__scs_overlays_trampoline_lowered:
0x8: {  	[smem:$0x3FA8] =	sst s0  }
0x9: {  	[smem:$0x3FA9] =	sst s1  }
0xa: {  	[smem:$0x3FAA] =	sst s2  }
0xb: {  	[smem:$0x3FAB] =	sst s3  }
0xc: {  	[smem:$0x3FAC] =	sst s4  }
0xd: {  	[smem:$0x3FAD] =	sst s5  }
0xe: {  	[smem:$0x3FAE] =	sst s6  }
0xf: {  	[smem:$0x3FAF] =	sst s7  }
0x10: {  	[smem:$0x3FB0] =	sst s8  }
0x11: {  	[smem:$0x3FB1] =	sst s9;
	s0 =	simm.s32 @!p0 $0x0  }
0x12: {  	s1 =	sld [smem:$0x3F97];
	s0 =	simm.s32 @p0 $0x1  }
0x13: {  	[smem:$0x3FB2] =	sst s0;
	s0 =	simm.s32 @!p1 $0x0  }
0x14: {  	s2 =	sld [smem:$0x3F96];
	s0 =	simm.s32 @p1 $0x1  }
0x15: {  	[smem:$0x3FB3] =	sst s0;
	s0 =	simm.s32 @!p2 $0x0  }
0x16: {  	s3 =	sld [smem:$0x3FDB];
	s0 =	simm.s32 @p2 $0x1  }
0x17: {  	s4 =	simm.s32 $0x1BF5;
	[smem:$0x3FB5] =	sst s0  }
0x18: {  	s0 =	sld [smem:$0x3F98];
	_ =	swait.ge [sflag:s4], $0x0  }
0x19: {  	s7 =	sld [smem:$0x3F99]  }
0x1a: {  	s8 =	sadd.s32 $0xFFFFE003, lr  }
0x1b: {  	s9 =	sadd.s32 $0xFFFFFEF7, lr;
	s5 =	simm.s32 $0xFFFFFFFF;
	p2 =	slt.u32 s8, $0xFFFFF086  }
0x1c: {  	p1 =	slt.u32 s9, $0xF7A;
	s5 =	simm.s32 @!p2 $0x0  }
0x1d: {  	s5 =	simm.s32 @p1 $0x1;
	p0 =	seq.s32 s7, s2  }
0x1e: {  	s7 =	smul.u32 @!p0 $0xF7A, s2;
	p2 =	seq.s32 @!p0 s5, $0x0  }
0x1f: {  	s9 =	smul.u32 $0xF7A, s1;
	s8 =	simm.s32 @!p0 $0x1BF5;
	p2 =	por !p2, p0  }
0x20: {  	[sflag:s8] =	ssyncset.s32 @!p0 $0xFFFFF086;
	s6 =	sadd.s32 @!p0 s3, s7;
	s7 =	simm.s32 @!p0 $0x108  }
0x21: {  	s3 =	sadd.s32 s3, s9;
	s6 =	sadd.s32 @!p0 $0x88, s6;
	s7 =	simm.s32 @p2 $0x1082  }
0x22: {  	[simem:s7], [sflag:s8] =	dma.local @!p0 [hbm:s6], $0xF7A  }
0x23: {  	s9 =	sor.u32 $0xD0000000, s2;
	s6 =	simm.s32 $0x108;
	_ =	swait.ge @!p0 [sflag:s8], $0x0  }
0x24: {  	s3 =	sadd.s32 $0x88, s3;
	s6 =	simm.s32 @!p1 $0x1082;
	[sflag:s4] =	ssyncset.s32 $0xFFFFF086  }
0x25: {  	[simem:s6], [sflag:s4] =	dma.local [hbm:s3], $0xF7A  }
0x26: {  	[smem:$0x3F99] =	sst s1;
	(tag) =	ssettag s2;
	_ =	strace s9  }
0x27: {  	s1 =	sld [smem:$0x3FA9]  }
0x28: {  	s2 =	sld [smem:$0x3FAA]  }
0x29: {  	s4 =	sld [smem:$0x3FAC]  }
0x2a: {  	p0 =	seq.s32 s5, $0x0;
	s5 =	sld [smem:$0x3FAD]  }
0x2b: {  	s6 =	sld [smem:$0x3FAE]  }
0x2c: {  	s7 =	sld [smem:$0x3FAF]  }
0x2d: {  	s3 =	simm.s32 $0x108;
	s8 =	sld [smem:$0x3FB0]  }
0x2e: {  	s3 =	simm.s32 @!p0 $0x1082;
	s9 =	sld [smem:$0x3FB1]  }
0x2f: {  	lr =	sadd.s32 s0, s3;
	s0 =	sld [smem:$0x3FA8]  }
0x30: {  	s3 =	sld [smem:$0x3FAB]  }
0x31: {  	[smem:$0x3FB4] =	sst s10  }
0x32: {  	s10 =	sld [smem:$0x3FB2];
	_ =	sdelay $0x3  }
0x33: {  	p0 =	seq.s32 s10, $0x1;
	s10 =	sld [smem:$0x3FB4];
	_ =	sdelay $0x3  }
0x34: {  	[smem:$0x3FB4] =	sst s10  }
0x35: {  	s10 =	sld [smem:$0x3FB3];
	_ =	sdelay $0x3  }
0x36: {  	p1 =	seq.s32 s10, $0x1;
	s10 =	sld [smem:$0x3FB4];
	_ =	sdelay $0x3  }
0x37: {  	[smem:$0x3FB4] =	sst s10  }
0x38: {  	s10 =	sld [smem:$0x3FB5]  }
0x39: {  	_ = 	snop;
	(pc) =	sbr.ind lr, $3  }
0x3a: {  	_ = 	snop  }
0x3b: {  	_ = 	snop  }
0x3c: {  	p2 =	seq.s32 s10, $0x1;
	s10 =	sld [smem:$0x3FB4]  }
0x3d: {  	_ =	shalt  }
0x3e: {  	_ =	shalt  }
0x3f: {  	_ =	shalt  }
0x40: {  	_ =	shalt  }
0x41: {  	_ =	shalt  }
0x42: {  	_ =	shalt  }
0x43: {  	_ =	shalt  }
0x44: {  	_ =	shalt  }
0x45: {  	_ =	shalt  }
0x46: {  	_ =	shalt  }
0x47: {  	_ =	shalt  }
0x48: {  	_ =	shalt  }
0x49: {  	_ =	shalt  }
0x4a: {  	_ =	shalt  }
0x4b: {  	_ =	shalt  }
0x4c: {  	_ =	shalt  }
0x4d: {  	_ =	shalt  }
0x4e: {  	_ =	shalt  }
0x4f: {  	_ =	shalt  }
0x50: {  	_ =	shalt  }
0x51: {  	_ =	shalt  }
0x52: {  	_ =	shalt  }
0x53: {  	_ =	shalt  }
0x54: {  	_ =	shalt  }
0x55: {  	_ =	shalt  }
0x56: {  	_ =	shalt  }
0x57: {  	_ =	shalt  }
0x58: {  	_ =	shalt  }
0x59: {  	_ =	shalt  }
0x5a: {  	_ =	shalt  }
0x5b: {  	_ =	shalt  }
0x5c: {  	_ =	shalt  }
0x5d: {  	_ =	shalt  }
0x5e: {  	_ =	shalt  }
0x5f: {  	_ =	shalt  }
0x60: {  	_ =	shalt  }
0x61: {  	_ =	shalt  }
0x62: {  	_ =	shalt  }
0x63: {  	_ =	shalt  }
0x64: {  	_ =	shalt  }
0x65: {  	_ =	shalt  }
0x66: {  	_ =	shalt  }
0x67: {  	_ =	shalt  }
0x68: {  	_ =	shalt  }
0x69: {  	_ =	shalt  }
0x6a: {  	_ =	shalt  }
0x6b: {  	_ =	shalt  }
0x6c: {  	_ =	shalt  }
0x6d: {  	_ =	shalt  }
0x6e: {  	_ =	shalt  }
0x6f: {  	_ =	shalt  }
0x70: {  	_ =	shalt  }
0x71: {  	_ =	shalt  }
0x72: {  	_ =	shalt  }
0x73: {  	_ =	shalt  }
0x74: {  	_ =	shalt  }
0x75: {  	_ =	shalt  }
0x76: {  	_ =	shalt  }
0x77: {  	_ =	shalt  }
0x78: {  	_ =	shalt  }
0x79: {  	_ =	shalt  }
0x7a: {  	_ =	shalt  }
0x7b: {  	_ =	shalt  }
0x7c: {  	_ =	shalt  }
0x7d: {  	_ =	shalt  }
0x7e: {  	_ =	shalt  }
0x7f: {  	_ =	shalt  }
0x80: {  	_ =	shalt  }
0x81: {  	_ =	shalt  }
0x82: {  	_ =	shalt  }
0x83: {  	_ =	shalt  }
0x84: {  	_ =	shalt  }
0x85: {  	_ =	shalt  }
0x86: {  	_ =	shalt  }
0x87: {  	_ =	shalt  }
.Lfunc_end0:
.L_simem_size_0:
called_computation_lowered:
.L_overlay_start_0:
0x88: {  	s2 =	sld [smem:$0x3FD9]  }
0x89: {  	s3 =	sld [smem:$0x3FFE];
	_ =	sdelay $0x1  }
0x8a: {  	s1 =	srdreg.scid  }
0x8b: {  	s0 =	sand.u32 $0x1, s1  }
0x8c: {  	s16 =	sshll.u32 s0, $0xA;
	s2 =	sadd.s32 s3, s2  }
0x8d: {  	s2 =	sadd.s32 s2, s16  }
0x8e: {  	[smem:$0x3FC0] =	sst s2  }
0x8f: {  	_ = 	snop  }
0x90: {  	(tm) =	ssettm $0x1  }
0x91: {  	s17 =	sld [smem:$0x3FFB];
	_ =	sdelay $0x3  }
0x92: {  	_ =	strace s17  }
0x93: {  	s2 =	sld [smem:$0x3FFC];
	_ =	sdelay $0x3  }
0x94: {  	_ =	strace s2  }
0x95: {  	s2 =	sld [smem:$0x3FFD];
	_ =	sdelay $0x3  }
0x96: {  	_ =	strace s2  }
0x97: {  	_ =	strace $0x8FFFFFFF  }
0x98: {  	s18 =	sld [smem:$0x3FDB];
	_ =	sdelay $0x1  }
0x99: {  	s19 =	simm.s32 $_scs_section_size  }
0x9a: {  	s4 =	simm.s32 $_size__tile_overlayer_lowered;
	s5 =	simm.s32 $_tile_overlayer_lowered  }
0x9b: {  	s22 =	simm.s32 $0x1BFF;
	s21 =	sshll.u32 s5, $0x1;
	s2 =	sadd.s32 s19, s18  }
0x9c: {  	s6 =	simm.s32 $0x0;
	s20 =	sshll.u32 s4, $0x1;
	s4 =	sadd.s32 s21, s2  }
0x9d: {  	[timem:s6], [sflag:s22] =	dma.local [hbm:s4], s20  }
0x9e: {  	_ =	swait.ge [sflag:s22], s20  }
0x9f: {  	s3 =	ssub.s32 $0x0, s20;
	[sflag:s22] =	ssyncset.done $0x0  }
0xa0: {  	[sflag:s22] =	ssyncadd.s32 s3;
	_ =	sdelay $0x1  }
0xa1: {  	s23 =	simm.s32 $0x1B8B  }
0xa2: {  	_ =	swait.ge [sflag:s23], $0x1  }
0xa3: {  	[sflag:s23] =	ssyncset.done $0x0  }
0xa4: {  	s25 =	simm.s32 $0x1B8E;
	s24 =	sld [smem:$0x3FFE];
	[sflag:s23] =	ssyncadd.s32 $0xFFFFFFFF  }
0xa5: {  	s26 =	simm.s32 $execute0_lowered;
	[smem:$0x3FD2] =	sst s25  }
0xa6: {  	s4 =	sshll.u32 s26, $0x1;
	_ =	strace $0x80000046;
	[dreg:$0x1] =	wrdreg $0xFFFFFFFF  }
0xa7: {  	s28 =	simm.s32 $_size_execute0_lowered;
	s2 =	sadd.s32 s2, s4;
	[dreg:$0x0] =	wrdreg $0x0  }
0xa8: {  	s4 =	sshll.u32 s28, $0x1;
	[dreg:$0x2] =	wrdreg s2  }
0xa9: {  	[dreg:$0x3] =	wrdreg s4  }
0xaa: {  	[dreg:$0x4] =	wrdreg $0xC0  }
0xab: {  	_ =	task [dreg:s6], $0x5FFFF  }
0xac: {  	[dreg:$0x1] =	wrdreg $0xFFFFFFFF  }
0xad: {  	[dreg:$0x0] =	wrdreg $0x60  }
0xae: {  	[dreg:$0x2] =	wrdreg s24  }
0xaf: {  	[dreg:$0x3] =	wrdreg $0x3F000  }
0xb0: {  	[dreg:$0x4] =	wrdreg $0x9  }
0xb1: {  	_ =	task.clear_ibuf [dreg:s6], $0x5FFFF;
	_ =	strace $0x90000046  }
0xb2: {  	s29 =	simm.s32 $0x9;
	_ =	strace $0x80000048  }
0xb3: {  	_ =	swait.ge [sflag:s29], $0x1  }
0xb4: {  	[sflag:s29] =	ssyncadd.s32 $0xFFFFFFFF  }
0xb5: {  	_ =	strace $0x90000048  }
0xb6: {  	_ =	sfence  }
0xb7: {  	s30 =	sld [smem:$0x0];
	_ =	sdelay $0x2  }
0xb8: {  	s31 =	sshll.u32 s1, $0xD;
	s1 =	sshrl.u32 s1, $0x2  }
0xb9: {  	s3 =	sand.u32 $0x4000, s31;
	s1 =	sadd.s32 s1, s30  }
0xba: {  	s0 =	sor.u32 s3, s0;
	s1 =	sshll.u32 s1, $0x11  }
0xbb: {  	s0 =	sor.u32 s1, s0  }
0xbc: {  	s0 =	sadd.s32 $0x8F2B, s0  }
0xbd: {  	[sflag:s0] =	ssyncadd.remote.s32 $0x1  }
0xbe: {  	_ =	sfence.sel $0xFFFF  }
0xbf: {  	[dreg:$0x0] =	wrdreg $0xFFFFFFFF;
	(pc) =	sbr.abs _section_cstart, $3  }
0xc0: {  	[dreg:$0x1] =	wrdreg $0xFFFFFFFF  }
0xc1: {  	_ =	task.clear_ibuf [dreg:s6], $0x2FFFF;
	_ =	strace $0x9FFFFFFF  }
0xc2: {  	(tm) =	ssettm $0x7FFFFFFF  }
0xc3: {  	_ =	shalt  }
tec
execute0_lowered:
.L_overlay_start_1:
0x0: {  	(tag) =	ssettag $0x1  }
0x1: {  	s1 =	srdreg.scid;
	s7 =	rddreg [dreg:$0x0]  }
0x2: {  	s0 =	stileid.u32;
	s2 =	rddreg [dreg:$0x1]  }
0x3: {  	s3 =	simm.s32 $0x0;
	s14 =	simm.s32 $0x80;
	s15 =	simm.s32 $0x0  }
0x4: {  	s6 =	sand.u32 $0x1, s1;
	s30 =	sshll.u32 s0, $0x1;
	s8 =	smul.u32 $0x2780, s0  }
0x5: {  	[smem:$0x7FF] =	sst s3;
	s12 =	sshll.u32 s0, $0x6;
	s1 =	sor.u32 s6, s30  }
0x6: {  	s5 =	smul.u32 $0x27800, s6;
	s11 =	ssub.s32 $0x2, s6;
	p0 =	seq.s32 s6, $0x0  }
0x7: {  	s6 =	simm.s32 $0x6E;
	s12 =	sor.u32 $0x1C01, s12;
	s4 =	smul.u32 $0x6E0, s1  }
0x8: {  	s1 =	rddreg [dreg:$0x2];
	_ =	strace $0x80000047;
	s31 =	sshrl.u32 s11, $0x1  }
0x9: {  	s6 =	simm.s32 @!p0 $0x30;
	s13 =	sadd.s32 s8, s2;
	s5 =	sadd.s32 s8, s5  }
0xa: {  	s11 =	ssub.s32 s11, s31;
	s13 =	sshrl.u32 s13, $0x3;
	s9 =	sadd.s32 s4, s7  }
0xb: {  	s4 =	sadd.s32 $0x10C00, s7;
	s10 =	sshrl.u32 s5, $0x3;
	s5 =	sadd.s32 $0x10600, s7  }
0xc: {  	s10 =	sadd.s32 s10, s7;
	s7 =	sadd.s32 $0x2A00, s9;
	s9 =	smax.u32 s11, $0x1  }
0xd: {  	s11 =	simm.s32 $0x1;
	s8 =	sadd.s32 $0x10E00, s10;
	s10 =	simm.s32 $0x3700  }
.LBB2_1:
0xe: {  	[tilespmem:s10], [sflag:$0x1] =	stream.linear.gather [hbm4b:s4+s3], $0x800, $0x38;
	[tilespmem:$0x6680] =	vst v63  }
0xf: {  	_ =	swait.ge [sflag:s11], $0x800  }
0x10: {  	[sflag:s11] =	ssyncset.done $0x0  }
0x11: {  	[sflag:s11] =	ssyncadd.s32 $0xFFFFF800  }
0x12: {  	[spmem:s13], [sflag:s12] =	dma.local [hbm:s5], $0x4F0  }
0x13: {  	_ =	swait.ge [sflag:s11], $0x4F0  }
0x14: {  	[sflag:s11] =	ssyncset.done $0x0  }
0x15: {  	[sflag:s11] =	ssyncadd.s32 $0xFFFFFB10  }
0x16: {  	[tilespmem:s3], [sflag:$0x1] =	stream.linear.gather [hbm4b:s7+s3], $0x3700, $0x38;
	[tilespmem:$0x6680] =	vst v63  }
0x17: {  	_ =	swait.ge [sflag:s11], $0x3700  }
0x18: {  	p0 =	sne.s32 s6, $0x1;
	[sflag:s11] =	ssyncset.done $0x0  }
.Ltmp0:
0x19: {  	[sflag:s11] =	ssyncadd.s32 $0xFFFFC900;
	(pc) =	sbr.rel @!p0 .LBB2_3-.Ltmp0, $4  }
0x1a: {  	[bflag:$0x0] =	sbarrier.arrive $0xFFFF  }
0x1b: {  	[spmem:s2] =	stream.indirect.scatter.add.f32 [tilespmem:s10], [sflag:$0x1], $0x10, s3, s14, $0xb8;
	[tilespmem:$0x6680] =	vst v63  }
0x1c: {  	_ =	swait.ge [sflag:s11], $0x800  }
0x1d: {  	s16 =	sadd.s32 $0xFFFFFFFF, s6;
	s17 =	simm.s32 $0x0;
	[sflag:s11] =	ssyncset.done $0x0  }
.LBB2_2:
0x1e: {  	p0 =	sne.s32 s16, $0x1;
	[sflag:s11] =	ssyncadd.s32 $0xFFFFF800;
	s17 =	sadd.s32 $0x80, s17  }
.Ltmp1:
0x1f: {  	s16 =	sadd.s32 $0xFFFFFFFF, s16;
	(pc) =	sbr.rel @p0 .LBB2_2-.Ltmp1, $4  }
0x20: {  	_ = 	snop  }
0x21: {  	[spmem:s2] =	stream.indirect.scatter.add.f32 [tilespmem:s10], [sflag:$0x1], $0x10, s17, s14, $0xb8;
	[tilespmem:$0x6680] =	vst v63  }
0x22: {  	_ =	swait.ge [sflag:s11], $0x800  }
0x23: {  	[sflag:s11] =	ssyncset.done $0x0  }
.LBB2_3:
0x24: {  	s15 =	sadd.s32 $0x1, s15  }
0x25: {  	[sflag:s11] =	ssyncadd.s32 $0xFFFFF800;
	p0 =	sne.s32 s15, s9  }
.Ltmp2:
0x26: {  	[bflag:$0x0] =	sbarrier.arrive $0xFFFF;
	(pc) =	sbr.rel @p0 .LBB2_1-.Ltmp2, $4  }
0x27: {  	[hbm:s8], [sflag:s12] =	dma.local [spmem:s13], $0x4F0  }
0x28: {  	_ =	swait.ge [sflag:s11], $0x4F0  }
0x29: {  	[sflag:s11] =	ssyncset.done $0x0  }
0x2a: {  	[sflag:s11] =	ssyncadd.s32 $0xFFFFFB10  }
0x2b: {  	_ =	sfence.sel $0x180000  }
0x2c: {  	[bflag:$0x0] =	sbarrier.arrive $0xFFFF  }
0x2d: {  	p0 =	sne.s32 s0, $0x0;
	_ =	strace $0x90000047  }
0x2e: {  	s0 =	sadd.s32 @!p0 $0x100000, s1;
	[bflag:$0x2] =	sbarrier.arrive $0xFFFF  }
0x2f: {  	[sflag:s0] =	ssyncadd.tile.s32 @!p0 $0x1;
	_ =	shalt  }
.Lfunc_end2:
_tile_overlayer_lowered:
.L_overlay_start_2:
0x30: {  	(tag) =	ssettag $0x2  }
0x31: {  	s0 =	rddreg [dreg:$0x0];
	s2 =	stileid.u32  }
0x32: {  	s1 =	rddreg [dreg:$0x1];
	p0 =	sne.s32 s2, $0x0  }
0x33: {  	s3 =	rddreg [dreg:$0x2];
	[bflag:$0x3] =	sbarrier.arrive $0xFFFF;
	s2 =	simm.s32 @!p0 $0x1C01  }
0x34: {  	[timem:s3], [sflag:s2] =	dma.local @!p0 [hbm:s0], s1  }
0x35: {  	s0 =	simm.s32 @!p0 $0x1  }
0x36: {  	_ =	swait.ge @!p0 [sflag:s0], s1  }
0x37: {  	s1 =	ssub.s32 @!p0 $0x0, s1;
	[sflag:s0] =	ssyncset.done @!p0 $0x0  }
0x38: {  	[sflag:s0] =	ssyncadd.s32 @!p0 s1  }
0x39: {  	[bflag:$0x3] =	sbarrier.arrive $0xFFFF  }
0x3a: {  	_ =	shalt  }

</sc_bundles>
